<compile_context>
chip_gen: v7x
topology: tpu7x:2x2x1
jax: 0.10.2.dev20260603
libtpu: 0.0.44.dev20260713+nightly
codegen_flags: <defaults>
</compile_context>

<pallas_src>
import functools

import jax
import jax.numpy as jnp
from jax import lax
from jax.experimental import pallas as pl
from jax.experimental.pallas import tpu as pltpu
from jax.experimental.pallas import tpu_sc as plsc

B, T, N, E, D, V, C, S = 16, 1024, 512, 2048, 64, 30000, 32, 16

_NC, _NS = 2, 16
_NW = _NC * _NS
_ROWS_PER_W = (B * T) // _NW
_IDX_CHUNK = 128
_CHUNKS = _ROWS_PER_W // _IDX_CHUNK
_DP = 128


def _sc_gather_body(table_hbm, idx_hbm, out_hbm, idx_v, rows_v, sem):
    wid = lax.axis_index("s") * _NC + lax.axis_index("c")
    pltpu.sync_copy(idx_hbm.at[pl.ds(wid * _CHUNKS, _CHUNKS)], idx_v)
    cps = [
        pltpu.async_copy(
            table_hbm.at[idx_v.at[j]],
            rows_v.at[pl.ds(j * _IDX_CHUNK, _IDX_CHUNK)],
            sem,
        )
        for j in range(_CHUNKS)
    ]
    for cp in cps:
        cp.wait()
    pltpu.sync_copy(rows_v, out_hbm.at[pl.ds(wid * _ROWS_PER_W, _ROWS_PER_W)])


@functools.cache
def _sc_gather_fn():
    return pl.kernel(
        _sc_gather_body,
        mesh=plsc.VectorSubcoreMesh(core_axis_name="c", subcore_axis_name="s"),
        out_type=jax.ShapeDtypeStruct((B * T, _DP), jnp.float32),
        scratch_types=[
            pltpu.VMEM((_CHUNKS, _IDX_CHUNK), jnp.int32),
            pltpu.VMEM((_ROWS_PER_W, _DP), jnp.float32),
            pltpu.SemaphoreType.DMA,
        ],
    )


def _sc_gather(table, idx2d):
    return _sc_gather_fn()(table, idx2d)


def _dot(a, b):
    return lax.dot_general(
        a, b, (((1,), (0,)), ((), ())),
        precision=lax.Precision.DEFAULT,
        preferred_element_type=jnp.float32,
    )


def _tc_body(tok_ref, ints_ref,
             nn_ref, si_ref, ei_ref, sl_ref,
             WhbT_ref, WxT_ref, b_ref, bb_ref, WoutT_ref, bout_ref,
             out_ref):
    bpid = pl.program_id(0)
    f32 = jnp.float32
    bf16 = jnp.bfloat16
    N2 = 2 * N
    nodes = lax.broadcasted_iota(jnp.int32, (1, N), 1)
    jj = lax.broadcasted_iota(jnp.int32, (N, N), 1)
    tt = lax.broadcasted_iota(jnp.int32, (T, N), 0)

    def prep(k):
        temb = tok_ref[k, :, :D]
        ints = ints_ref[k]
        lor = jnp.minimum(ints[0:1], ints[1:2])
        hir = jnp.maximum(ints[0:1], ints[1:2])
        wspanT = jnp.logical_and(tt >= lor, tt <= hir).astype(bf16)
        nemb = _dot(jnp.transpose(temb).astype(bf16), wspanT)
        cnt = (hir - lor + 1).astype(f32)
        nmask = (nodes < nn_ref[2 * bpid + k, 0]).astype(f32)
        h0 = nemb / cnt * nmask
        e3 = jnp.concatenate(
            [(jnp.reshape(ints[2:3], (N, 1)) == jj).astype(bf16),
             (jnp.reshape(ints[3:4], (N, 1)) == jj).astype(bf16),
             (jnp.reshape(ints[4:5], (N, 1)) == jj).astype(bf16)],
            axis=0)
        return h0, e3

    h0a, e3a = prep(0)
    h0b, e3b = prep(1)
    h0 = jnp.concatenate([h0a, h0b], axis=1)

    xproj = jnp.concatenate(
        [_dot(WxT_ref[...], h0) + b_ref[...], jnp.full((1, N2), 20.0, f32)],
        axis=0)
    h = jnp.concatenate([h0, jnp.ones((1, N2), f32)], axis=0)
    ll = lax.broadcasted_iota(jnp.int32, (1, N2), 1)
    si_a = si_ref[2 * bpid, 0]
    si_b = si_ref[2 * bpid + 1, 0]
    p = jnp.logical_or(ll == si_a, ll == si_b + N).astype(f32)
    sl_a = sl_ref[2 * bpid, 0]
    sl_b = sl_ref[2 * bpid + 1, 0]
    slrow = jnp.where(ll < N, sl_a, sl_b)
    whbT = WhbT_ref[...]
    bb = bb_ref[...]

    def step(t, carry):
        h, p = carry
        y = _dot(whbT, h)
        logits3 = y[D + 1:] + bb
        m3 = jnp.max(logits3, axis=0, keepdims=True)
        z3 = jnp.exp(logits3 - m3)
        probs = z3 / jnp.sum(z3, axis=0, keepdims=True)
        h_new = jnp.tanh(y[:D + 1] + xproj)
        hb = h_new.astype(bf16)
        g0 = hb * (p * probs[0:1]).astype(bf16)
        g1 = hb * (p * probs[1:2]).astype(bf16)
        g2 = hb * (p * probs[2:3]).astype(bf16)
        ra = _dot(jnp.concatenate([g0[:, :N], g1[:, :N], g2[:, :N]], axis=1),
                  e3a)
        rb = _dot(jnp.concatenate([g0[:, N:], g1[:, N:], g2[:, N:]], axis=1),
                  e3b)
        r = jnp.concatenate([ra, rb], axis=1)
        p_next = r[D:D + 1]
        h_agg = r / jnp.maximum(p_next, 1e-9)
        act = t < slrow
        return jnp.where(act, h_agg, h), jnp.where(act, p_next, p)

    h, p = lax.fori_loop(0, jnp.maximum(sl_a, sl_b), step, (h, p))

    for k in range(2):
        hk = h[:D, k * N:(k + 1) * N]
        pk = p[:, k * N:(k + 1) * N]
        ei = ei_ref[2 * bpid + k, 0]
        rn = jnp.minimum(ei + 1, N - 1)
        emask = (nodes == ei).astype(f32)
        rmask = (nodes == rn).astype(f32)
        exit_ip = jnp.sum(pk * emask)
        raise_ip = jnp.sum(pk * rmask)
        remb = jnp.sum(hk * rmask, axis=1, keepdims=True)
        logits = _dot(WoutT_ref[...], remb) + bout_ref[...]
        cc = lax.broadcasted_iota(jnp.int32, (C, 1), 0)
        masked = jnp.where(cc == 0, -jnp.inf, logits)
        mm = jnp.max(masked, axis=0, keepdims=True)
        lse = jnp.log(jnp.sum(jnp.exp(masked - mm), axis=0, keepdims=True)) + mm
        no_err = (jnp.log(exit_ip + 1e-9) - jnp.log(raise_ip + 1e-9)
                  + lse[0, 0])
        out_ref[k] = jnp.where(cc == 0, no_err, masked)


def _tc_forward(tok_emb, ints, nn, si, ei, sl,
                WhbT, WxT, b, bb, WoutT, bout):
    full = lambda blk: pl.BlockSpec(blk, lambda i: (0, 0))
    pair = lambda blk: pl.BlockSpec(blk, lambda i: (i, 0, 0))
    smem = pl.BlockSpec(memory_space=pltpu.SMEM)
    out = pl.pallas_call(
        _tc_body,
        grid=(B // 2,),
        in_specs=[
            pair((2, T, _DP)),
            pair((2, 8, N)),
            smem, smem, smem, smem,
            full((D + 4, D + 1)), full((D, D)), full((D, 1)),
            full((3, 1)),
            full((C, D)), full((C, 1)),
        ],
        out_specs=pair((2, C, 1)),
        out_shape=jax.ShapeDtypeStruct((B, C, 1), jnp.float32),
    )(tok_emb, ints, nn, si, ei, sl,
      WhbT, WxT, b, bb, WoutT, bout)
    return out[:, :, 0]


def kernel(tokens, node_token_span_starts, node_token_span_ends, num_nodes,
           edge_sources, edge_dests, edge_types,
           true_branch_nodes, false_branch_nodes, raise_nodes,
           start_index, exit_index, step_limit,
           token_embed, Wh, Wx, b, Wb, bb, Wout, bout):
    i32 = lambda a: a.astype(jnp.int32)
    idx2d = i32(tokens).reshape(_NW * _CHUNKS, _IDX_CHUNK)
    table = jnp.pad(token_embed.astype(jnp.float32), ((0, 0), (0, _DP - D)))
    tok_emb = _sc_gather(table, idx2d)
    tok_emb = tok_emb.reshape(B, T, _DP)
    ints = jnp.stack(
        [i32(node_token_span_starts), i32(node_token_span_ends),
         i32(true_branch_nodes), i32(false_branch_nodes), i32(raise_nodes),
         i32(node_token_span_starts), i32(node_token_span_starts),
         i32(node_token_span_starts)], axis=1)
    sc = lambda a: i32(a).reshape(B, 1)
    logits = _tc_forward(
        tok_emb, ints,
        sc(num_nodes), sc(start_index), sc(exit_index), sc(step_limit),
        jnp.concatenate([jnp.pad(Wh.T, ((0, 1), (0, 1))),
                         jnp.pad(Wb.T, ((0, 0), (0, 1)))], axis=0),
        Wx.T, b.reshape(D, 1), bb.reshape(3, 1),
        Wout.T, bout.reshape(C, 1),
    )
    return logits

# --- scband reference (transcript-rebuilt; emitter-appended) ---
"""Pipeline reference for scband-ipagnn-9216999817665 (READ-ONLY COPY).

The authoritative reference and input builder live on the scoring server;
editing this copy changes nothing except your own understanding.
"""

import jax, jax.numpy as jnp
import numpy as np

B, T, N, E, D, V, C, S = 16, 1024, 512, 2048, 64, 30000, 32, 16


def setup_inputs(seed: int = 0) -> dict:
    key = jax.random.key(seed)
    ks = jax.random.split(key, 20)
    inp = {}
    inp['tokens'] = jax.random.randint(ks[0], (B, T), 0, V)
    inp['node_token_span_starts'] = jnp.sort(jax.random.randint(ks[1], (B, N), 0, T), axis=-1)
    inp['node_token_span_ends'] = jnp.sort(jax.random.randint(ks[2], (B, N), 0, T), axis=-1)
    inp['num_nodes'] = jax.random.randint(ks[3], (B,), 1, N + 1)
    inp['edge_sources'] = jax.random.randint(ks[4], (B, E), 0, N)
    inp['edge_dests'] = jax.random.randint(ks[5], (B, E), 0, N)
    inp['edge_types'] = jax.random.randint(ks[6], (B, E), 0, 6)
    inp['true_branch_nodes'] = jax.random.randint(ks[7], (B, N), 0, N)
    inp['false_branch_nodes'] = jax.random.randint(ks[8], (B, N), 0, N)
    inp['raise_nodes'] = jax.random.randint(ks[9], (B, N), 0, N)
    inp['start_index'] = jax.random.randint(ks[10], (B,), 0, N)
    inp['exit_index'] = jax.random.randint(ks[11], (B,), 0, N)
    inp['step_limit'] = jax.random.randint(ks[12], (B,), 1, S + 1)
    inp['token_embed'] = jax.random.normal(ks[13], (V, D), dtype=jnp.float32) * 0.05
    inp['Wh'] = jax.random.normal(ks[14], (D, D), dtype=jnp.float32) / np.sqrt(D)
    inp['Wx'] = jax.random.normal(ks[15], (D, D), dtype=jnp.float32) / np.sqrt(D)
    inp['b'] = jnp.zeros((D,), dtype=jnp.float32)
    inp['Wb'] = jax.random.normal(ks[16], (D, 3), dtype=jnp.float32) / np.sqrt(D)
    inp['bb'] = jnp.zeros((3,), dtype=jnp.float32)
    inp['Wout'] = jax.random.normal(ks[17], (D, C), dtype=jnp.float32) / np.sqrt(D)
    inp['bout'] = jnp.zeros((C,), dtype=jnp.float32)
    return inp


def _gather_rows(mat, idx):
    return jax.vmap(lambda m, i: m[i])(mat, idx)


def _forward(tokens, starts, ends, num_nodes, true_idx, false_idx, raise_idx,
             start_index, exit_index, step_limit,
             token_embed, Wh, Wx, b, Wb, bb, Wout, bout):
    # --- NodeSpanEncoder: token embedding + span mean-pool to node embeddings ---
    tok_emb = token_embed[tokens]  # gather [B,T,D]
    csum = jnp.concatenate([jnp.zeros((B, 1, D), dtype=tok_emb.dtype), jnp.cumsum(tok_emb, axis=1)], axis=1)
    lo = jnp.minimum(starts, ends)
    hi = jnp.maximum(starts, ends)
    span_sum = _gather_rows(csum, hi + 1) - _gather_rows(csum, lo)
    node_emb = span_sum / (hi - lo + 1).astype(jnp.float32)[..., None]
    node_mask = (jnp.arange(N)[None, :] < num_nodes[:, None]).astype(jnp.float32)
    node_emb = node_emb * node_mask[..., None]

    # --- IPAGNNModule: soft instruction-pointer message passing ---
    xproj = node_emb @ Wx + b
    h = node_emb
    p = jnp.zeros((B, N), dtype=jnp.float32).at[jnp.arange(B), start_index].set(1.0)
    bidx = jnp.arange(B)[:, None]
    dest_list = (true_idx, false_idx, raise_idx)
    for t in range(S):
        probs = jax.nn.softmax(h @ Wb + bb, axis=-1)  # [B,N,3] branch decision
        h_new = jnp.tanh(h @ Wh + xproj)              # RNN execute step
        p_next = jnp.zeros((B, N), dtype=jnp.float32)
        h_next = jnp.zeros((B, N, D), dtype=jnp.float32)
        for k in range(3):
            w = p * probs[..., k]
            p_next = p_next.at[bidx, dest_list[k]].add(w)
            h_next = h_next.at[bidx, dest_list[k]].add(w[..., None] * h_new)
        h_agg = h_next / jnp.maximum(p_next, 1e-9)[..., None]
        active = (t < step_limit)
        h = jnp.where(active[:, None, None], h_agg, h)
        p = jnp.where(active[:, None], p_next, p)

    ar = jnp.arange(B)
    exit_emb = h[ar, exit_index]
    raise_node = jnp.minimum(exit_index + 1, N - 1)
    raise_emb = h[ar, raise_node]
    exit_ip = p[ar, exit_index]
    raise_ip = p[ar, raise_node]

    # --- output head (raise_in_ipagnn=True path) ---
    logits = raise_emb @ Wout + bout
    masked = logits.at[:, 0].set(-jnp.inf)
    lse = jax.nn.logsumexp(masked, axis=-1)
    no_err = jnp.log(exit_ip + 1e-9) - jnp.log(raise_ip + 1e-9) + lse
    logits = masked.at[:, 0].set(no_err)
    return logits


def reference(tokens, node_token_span_starts, node_token_span_ends, num_nodes,
              edge_sources, edge_dests, edge_types,
              true_branch_nodes, false_branch_nodes, raise_nodes,
              start_index, exit_index, step_limit,
              token_embed, Wh, Wx, b, Wb, bb, Wout, bout):
    return _forward(tokens, node_token_span_starts, node_token_span_ends, num_nodes,
                    true_branch_nodes, false_branch_nodes, raise_nodes,
                    start_index, exit_index, step_limit,
                    token_embed, Wh, Wx, b, Wb, bb, Wout, bout)

if __name__ == "__main__":
    import jax
    _d = setup_inputs()
    print(jax.jit(kernel)(*tuple(_d.values())))

</pallas_src>

<mosaic_0001>
#map = affine_map<(d0, d1) -> (0, 0)>
module attributes {stable_mosaic.version = 14 : i64} {
  func.func @_sc_gather_body(%arg0: i32, %arg1: i32, %arg2: memref<30000x128xf32, #tpu.memory_space<hbm>>, %arg3: memref<128x128xi32, #tpu.memory_space<hbm>>, %arg4: memref<16384x128xf32, #tpu.memory_space<hbm>>, %arg5: memref<4x128xi32, #tpu.memory_space<vmem>>, %arg6: memref<512x128xf32, #tpu.memory_space<vmem>>, %arg7: memref<!tpu.dma_semaphore, #tpu.memory_space<semaphore_mem>>) attributes {dimension_semantics = [#tpu.dimension_semantics<core_parallel>, #tpu.dimension_semantics<subcore_parallel>], iteration_bounds = array<i64: 2, 16>, scalar_prefetch = 0 : i64, scratch_operands = 3 : i64, tpu.core_type = #tpu.core_type<sc_vector_subcore>, window_params = [{transform_indices = #map}, {transform_indices = #map}, {transform_indices = #map}]} {
    %mul3A = arith.constant 2 : i32
    %mul3A_0 = arith.muli %arg1, %mul3A : i32
    %add3A = arith.addi %mul3A_0, %arg0 : i32
    %mul3A_1 = arith.constant 4 : i32
    %mul3A_2 = arith.muli %add3A, %mul3A_1 : i32
    "tpu.region"() ({
      %run_scoped3A = tpu.sem_alloc : memref<!tpu.dma_semaphore, #tpu.memory_space<semaphore_mem>>
      %dma_start3A_83 = arith.constant 0 : i32
      %dma_start3A_84 = tpu.memref_slice %arg3[%mul3A_2, %dma_start3A_83] : memref<128x128xi32, #tpu.memory_space<hbm>> -> memref<4x128xi32, #tpu.memory_space<hbm>>
      %dma_start3A_85 = arith.constant 0 : i32
      %dma_start3A_86 = tpu.memref_slice %arg3[%mul3A_2, %dma_start3A_85] : memref<128x128xi32, #tpu.memory_space<hbm>> -> memref<4x128xi32, #tpu.memory_space<hbm>>
      tpu.enqueue_dma source(%dma_start3A_86 : memref<4x128xi32, #tpu.memory_space<hbm>>) target(%arg5 : memref<4x128xi32, #tpu.memory_space<vmem>>) target_semaphore(%run_scoped3A : memref<!tpu.dma_semaphore, #tpu.memory_space<semaphore_mem>>)
      %dma_wait3A_87 = arith.constant 0 : i32
      %dma_wait3A_88 = tpu.memref_slice %arg3[%mul3A_2, %dma_wait3A_87] : memref<128x128xi32, #tpu.memory_space<hbm>> -> memref<4x128xi32, #tpu.memory_space<hbm>>
      %dma_wait3A_89 = arith.constant 0 : i32
      %dma_wait3A_90 = tpu.memref_slice %arg3[%mul3A_2, %dma_wait3A_89] : memref<128x128xi32, #tpu.memory_space<hbm>> -> memref<4x128xi32, #tpu.memory_space<hbm>>
      tpu.wait_dma2 semaphore(%run_scoped3A : memref<!tpu.dma_semaphore, #tpu.memory_space<semaphore_mem>>) src(%dma_wait3A_90 : memref<4x128xi32, #tpu.memory_space<hbm>>) dst(%arg5 : memref<4x128xi32, #tpu.memory_space<vmem>>)
      tpu.yield
    }) : () -> ()
    %dma_start3A = arith.constant 0 : i32
    %dma_start3A_3 = arith.constant 0 : i32
    %dma_start3A_4 = arith.constant 0 : i32
    %dma_start3A_5 = tpu.memref_slice %arg6[%dma_start3A_3, %dma_start3A_4] : memref<512x128xf32, #tpu.memory_space<vmem>> -> memref<128x128xf32, #tpu.memory_space<vmem>>
    %dma_start3A_6 = arith.constant 0 : i32
    %dma_start3A_7 = tpu.memref_slice %arg5[%dma_start3A, %dma_start3A_6] : memref<4x128xi32, #tpu.memory_space<vmem>> -> memref<1x128xi32, #tpu.memory_space<vmem>>
    %dma_start3A_8 = tpu.memref_squeeze %dma_start3A_7 : memref<1x128xi32, #tpu.memory_space<vmem>> -> memref<128xi32, #tpu.memory_space<vmem>>
    %dma_start3A_9 = arith.constant 0 : i32
    %dma_start3A_10 = arith.constant 0 : i32
    %dma_start3A_11 = tpu.memref_slice %arg2[%dma_start3A_9, %dma_start3A_10] : memref<30000x128xf32, #tpu.memory_space<hbm>> -> memref<30000x128xf32, #tpu.memory_space<hbm>>
    tpu.enqueue_indirect_dma source(%dma_start3A_11 : memref<30000x128xf32, #tpu.memory_space<hbm>>) target(%dma_start3A_5 : memref<128x128xf32, #tpu.memory_space<vmem>>) offsets(%dma_start3A_8 : memref<128xi32, #tpu.memory_space<vmem>>) semaphore(%arg7 : memref<!tpu.dma_semaphore, #tpu.memory_space<semaphore_mem>>)
    %dma_start3A_12 = arith.constant 1 : i32
    %dma_start3A_13 = arith.constant 128 : i32
    %dma_start3A_14 = arith.constant 0 : i32
    %dma_start3A_15 = tpu.memref_slice %arg6[%dma_start3A_13, %dma_start3A_14] : memref<512x128xf32, #tpu.memory_space<vmem>> -> memref<128x128xf32, #tpu.memory_space<vmem>>
    %dma_start3A_16 = arith.constant 0 : i32
    %dma_start3A_17 = tpu.memref_slice %arg5[%dma_start3A_12, %dma_start3A_16] : memref<4x128xi32, #tpu.memory_space<vmem>> -> memref<1x128xi32, #tpu.memory_space<vmem>>
    %dma_start3A_18 = tpu.memref_squeeze %dma_start3A_17 : memref<1x128xi32, #tpu.memory_space<vmem>> -> memref<128xi32, #tpu.memory_space<vmem>>
    %dma_start3A_19 = arith.constant 0 : i32
    %dma_start3A_20 = arith.constant 0 : i32
    %dma_start3A_21 = tpu.memref_slice %arg2[%dma_start3A_19, %dma_start3A_20] : memref<30000x128xf32, #tpu.memory_space<hbm>> -> memref<30000x128xf32, #tpu.memory_space<hbm>>
    tpu.enqueue_indirect_dma source(%dma_start3A_21 : memref<30000x128xf32, #tpu.memory_space<hbm>>) target(%dma_start3A_15 : memref<128x128xf32, #tpu.memory_space<vmem>>) offsets(%dma_start3A_18 : memref<128xi32, #tpu.memory_space<vmem>>) semaphore(%arg7 : memref<!tpu.dma_semaphore, #tpu.memory_space<semaphore_mem>>)
    %dma_start3A_22 = arith.constant 2 : i32
    %dma_start3A_23 = arith.constant 256 : i32
    %dma_start3A_24 = arith.constant 0 : i32
    %dma_start3A_25 = tpu.memref_slice %arg6[%dma_start3A_23, %dma_start3A_24] : memref<512x128xf32, #tpu.memory_space<vmem>> -> memref<128x128xf32, #tpu.memory_space<vmem>>
    %dma_start3A_26 = arith.constant 0 : i32
    %dma_start3A_27 = tpu.memref_slice %arg5[%dma_start3A_22, %dma_start3A_26] : memref<4x128xi32, #tpu.memory_space<vmem>> -> memref<1x128xi32, #tpu.memory_space<vmem>>
    %dma_start3A_28 = tpu.memref_squeeze %dma_start3A_27 : memref<1x128xi32, #tpu.memory_space<vmem>> -> memref<128xi32, #tpu.memory_space<vmem>>
    %dma_start3A_29 = arith.constant 0 : i32
    %dma_start3A_30 = arith.constant 0 : i32
    %dma_start3A_31 = tpu.memref_slice %arg2[%dma_start3A_29, %dma_start3A_30] : memref<30000x128xf32, #tpu.memory_space<hbm>> -> memref<30000x128xf32, #tpu.memory_space<hbm>>
    tpu.enqueue_indirect_dma source(%dma_start3A_31 : memref<30000x128xf32, #tpu.memory_space<hbm>>) target(%dma_start3A_25 : memref<128x128xf32, #tpu.memory_space<vmem>>) offsets(%dma_start3A_28 : memref<128xi32, #tpu.memory_space<vmem>>) semaphore(%arg7 : memref<!tpu.dma_semaphore, #tpu.memory_space<semaphore_mem>>)
    %dma_start3A_32 = arith.constant 3 : i32
    %dma_start3A_33 = arith.constant 384 : i32
    %dma_start3A_34 = arith.constant 0 : i32
    %dma_start3A_35 = tpu.memref_slice %arg6[%dma_start3A_33, %dma_start3A_34] : memref<512x128xf32, #tpu.memory_space<vmem>> -> memref<128x128xf32, #tpu.memory_space<vmem>>
    %dma_start3A_36 = arith.constant 0 : i32
    %dma_start3A_37 = tpu.memref_slice %arg5[%dma_start3A_32, %dma_start3A_36] : memref<4x128xi32, #tpu.memory_space<vmem>> -> memref<1x128xi32, #tpu.memory_space<vmem>>
    %dma_start3A_38 = tpu.memref_squeeze %dma_start3A_37 : memref<1x128xi32, #tpu.memory_space<vmem>> -> memref<128xi32, #tpu.memory_space<vmem>>
    %dma_start3A_39 = arith.constant 0 : i32
    %dma_start3A_40 = arith.constant 0 : i32
    %dma_start3A_41 = tpu.memref_slice %arg2[%dma_start3A_39, %dma_start3A_40] : memref<30000x128xf32, #tpu.memory_space<hbm>> -> memref<30000x128xf32, #tpu.memory_space<hbm>>
    tpu.enqueue_indirect_dma source(%dma_start3A_41 : memref<30000x128xf32, #tpu.memory_space<hbm>>) target(%dma_start3A_35 : memref<128x128xf32, #tpu.memory_space<vmem>>) offsets(%dma_start3A_38 : memref<128xi32, #tpu.memory_space<vmem>>) semaphore(%arg7 : memref<!tpu.dma_semaphore, #tpu.memory_space<semaphore_mem>>)
    %dma_wait3A = arith.constant 0 : i32
    %dma_wait3A_42 = arith.constant 0 : i32
    %dma_wait3A_43 = arith.constant 0 : i32
    %dma_wait3A_44 = tpu.memref_slice %arg6[%dma_wait3A_42, %dma_wait3A_43] : memref<512x128xf32, #tpu.memory_space<vmem>> -> memref<128x128xf32, #tpu.memory_space<vmem>>
    %dma_wait3A_45 = arith.constant 0 : i32
    %dma_wait3A_46 = tpu.memref_slice %arg5[%dma_wait3A, %dma_wait3A_45] : memref<4x128xi32, #tpu.memory_space<vmem>> -> memref<1x128xi32, #tpu.memory_space<vmem>>
    %dma_wait3A_47 = tpu.memref_squeeze %dma_wait3A_46 : memref<1x128xi32, #tpu.memory_space<vmem>> -> memref<128xi32, #tpu.memory_space<vmem>>
    %dma_wait3A_48 = arith.constant 0 : i32
    %dma_wait3A_49 = arith.constant 0 : i32
    %dma_wait3A_50 = tpu.memref_slice %arg2[%dma_wait3A_48, %dma_wait3A_49] : memref<30000x128xf32, #tpu.memory_space<hbm>> -> memref<30000x128xf32, #tpu.memory_space<hbm>>
    tpu.wait_indirect_dma semaphore(%arg7 : memref<!tpu.dma_semaphore, #tpu.memory_space<semaphore_mem>>) src(%dma_wait3A_50 : memref<30000x128xf32, #tpu.memory_space<hbm>>) dst(%dma_wait3A_44 : memref<128x128xf32, #tpu.memory_space<vmem>>)
    %dma_wait3A_51 = arith.constant 1 : i32
    %dma_wait3A_52 = arith.constant 128 : i32
    %dma_wait3A_53 = arith.constant 0 : i32
    %dma_wait3A_54 = tpu.memref_slice %arg6[%dma_wait3A_52, %dma_wait3A_53] : memref<512x128xf32, #tpu.memory_space<vmem>> -> memref<128x128xf32, #tpu.memory_space<vmem>>
    %dma_wait3A_55 = arith.constant 0 : i32
    %dma_wait3A_56 = tpu.memref_slice %arg5[%dma_wait3A_51, %dma_wait3A_55] : memref<4x128xi32, #tpu.memory_space<vmem>> -> memref<1x128xi32, #tpu.memory_space<vmem>>
    %dma_wait3A_57 = tpu.memref_squeeze %dma_wait3A_56 : memref<1x128xi32, #tpu.memory_space<vmem>> -> memref<128xi32, #tpu.memory_space<vmem>>
    %dma_wait3A_58 = arith.constant 0 : i32
    %dma_wait3A_59 = arith.constant 0 : i32
    %dma_wait3A_60 = tpu.memref_slice %arg2[%dma_wait3A_58, %dma_wait3A_59] : memref<30000x128xf32, #tpu.memory_space<hbm>> -> memref<30000x128xf32, #tpu.memory_space<hbm>>
    tpu.wait_indirect_dma semaphore(%arg7 : memref<!tpu.dma_semaphore, #tpu.memory_space<semaphore_mem>>) src(%dma_wait3A_60 : memref<30000x128xf32, #tpu.memory_space<hbm>>) dst(%dma_wait3A_54 : memref<128x128xf32, #tpu.memory_space<vmem>>)
    %dma_wait3A_61 = arith.constant 2 : i32
    %dma_wait3A_62 = arith.constant 256 : i32
    %dma_wait3A_63 = arith.constant 0 : i32
    %dma_wait3A_64 = tpu.memref_slice %arg6[%dma_wait3A_62, %dma_wait3A_63] : memref<512x128xf32, #tpu.memory_space<vmem>> -> memref<128x128xf32, #tpu.memory_space<vmem>>
    %dma_wait3A_65 = arith.constant 0 : i32
    %dma_wait3A_66 = tpu.memref_slice %arg5[%dma_wait3A_61, %dma_wait3A_65] : memref<4x128xi32, #tpu.memory_space<vmem>> -> memref<1x128xi32, #tpu.memory_space<vmem>>
    %dma_wait3A_67 = tpu.memref_squeeze %dma_wait3A_66 : memref<1x128xi32, #tpu.memory_space<vmem>> -> memref<128xi32, #tpu.memory_space<vmem>>
    %dma_wait3A_68 = arith.constant 0 : i32
    %dma_wait3A_69 = arith.constant 0 : i32
    %dma_wait3A_70 = tpu.memref_slice %arg2[%dma_wait3A_68, %dma_wait3A_69] : memref<30000x128xf32, #tpu.memory_space<hbm>> -> memref<30000x128xf32, #tpu.memory_space<hbm>>
    tpu.wait_indirect_dma semaphore(%arg7 : memref<!tpu.dma_semaphore, #tpu.memory_space<semaphore_mem>>) src(%dma_wait3A_70 : memref<30000x128xf32, #tpu.memory_space<hbm>>) dst(%dma_wait3A_64 : memref<128x128xf32, #tpu.memory_space<vmem>>)
    %dma_wait3A_71 = arith.constant 3 : i32
    %dma_wait3A_72 = arith.constant 384 : i32
    %dma_wait3A_73 = arith.constant 0 : i32
    %dma_wait3A_74 = tpu.memref_slice %arg6[%dma_wait3A_72, %dma_wait3A_73] : memref<512x128xf32, #tpu.memory_space<vmem>> -> memref<128x128xf32, #tpu.memory_space<vmem>>
    %dma_wait3A_75 = arith.constant 0 : i32
    %dma_wait3A_76 = tpu.memref_slice %arg5[%dma_wait3A_71, %dma_wait3A_75] : memref<4x128xi32, #tpu.memory_space<vmem>> -> memref<1x128xi32, #tpu.memory_space<vmem>>
    %dma_wait3A_77 = tpu.memref_squeeze %dma_wait3A_76 : memref<1x128xi32, #tpu.memory_space<vmem>> -> memref<128xi32, #tpu.memory_space<vmem>>
    %dma_wait3A_78 = arith.constant 0 : i32
    %dma_wait3A_79 = arith.constant 0 : i32
    %dma_wait3A_80 = tpu.memref_slice %arg2[%dma_wait3A_78, %dma_wait3A_79] : memref<30000x128xf32, #tpu.memory_space<hbm>> -> memref<30000x128xf32, #tpu.memory_space<hbm>>
    tpu.wait_indirect_dma semaphore(%arg7 : memref<!tpu.dma_semaphore, #tpu.memory_space<semaphore_mem>>) src(%dma_wait3A_80 : memref<30000x128xf32, #tpu.memory_space<hbm>>) dst(%dma_wait3A_74 : memref<128x128xf32, #tpu.memory_space<vmem>>)
    %mul3A_81 = arith.constant 512 : i32
    %mul3A_82 = arith.muli %add3A, %mul3A_81 : i32
    "tpu.region"() ({
      %run_scoped3A = tpu.sem_alloc : memref<!tpu.dma_semaphore, #tpu.memory_space<semaphore_mem>>
      %dma_start3A_83 = arith.constant 0 : i32
      %dma_start3A_84 = tpu.memref_slice %arg4[%mul3A_82, %dma_start3A_83] : memref<16384x128xf32, #tpu.memory_space<hbm>> -> memref<512x128xf32, #tpu.memory_space<hbm>>
      %dma_start3A_85 = arith.constant 0 : i32
      %dma_start3A_86 = tpu.memref_slice %arg4[%mul3A_82, %dma_start3A_85] : memref<16384x128xf32, #tpu.memory_space<hbm>> -> memref<512x128xf32, #tpu.memory_space<hbm>>
      tpu.enqueue_dma source(%arg6 : memref<512x128xf32, #tpu.memory_space<vmem>>) target(%dma_start3A_86 : memref<512x128xf32, #tpu.memory_space<hbm>>) target_semaphore(%run_scoped3A : memref<!tpu.dma_semaphore, #tpu.memory_space<semaphore_mem>>)
      %dma_wait3A_87 = arith.constant 0 : i32
      %dma_wait3A_88 = tpu.memref_slice %arg4[%mul3A_82, %dma_wait3A_87] : memref<16384x128xf32, #tpu.memory_space<hbm>> -> memref<512x128xf32, #tpu.memory_space<hbm>>
      %dma_wait3A_89 = arith.constant 0 : i32
      %dma_wait3A_90 = tpu.memref_slice %arg4[%mul3A_82, %dma_wait3A_89] : memref<16384x128xf32, #tpu.memory_space<hbm>> -> memref<512x128xf32, #tpu.memory_space<hbm>>
      tpu.wait_dma2 semaphore(%run_scoped3A : memref<!tpu.dma_semaphore, #tpu.memory_space<semaphore_mem>>) src(%arg6 : memref<512x128xf32, #tpu.memory_space<vmem>>) dst(%dma_wait3A_90 : memref<512x128xf32, #tpu.memory_space<hbm>>)
      tpu.yield
    }) : () -> ()
    return
  }
}

module attributes {stable_mosaic.version = 14 : i64} {
  func.func @_tc_body(%arg0: i32, %arg1: memref<2x1024x128xf32, #tpu.memory_space<vmem>>, %arg2: memref<2x8x512xi32, #tpu.memory_space<vmem>>, %arg3: memref<16x1xi32, #tpu.memory_space<smem>>, %arg4: memref<16x1xi32, #tpu.memory_space<smem>>, %arg5: memref<16x1xi32, #tpu.memory_space<smem>>, %arg6: memref<16x1xi32, #tpu.memory_space<smem>>, %arg7: memref<68x65xf32, #tpu.memory_space<vmem>>, %arg8: memref<64x64xf32, #tpu.memory_space<vmem>>, %arg9: memref<64x1xf32, #tpu.memory_space<vmem>>, %arg10: memref<3x1xf32, #tpu.memory_space<vmem>>, %arg11: memref<32x64xf32, #tpu.memory_space<vmem>>, %arg12: memref<32x1xf32, #tpu.memory_space<vmem>>, %arg13: memref<2x32x1xf32, #tpu.memory_space<vmem>>) attributes {dimension_semantics = [#tpu.dimension_semantics<arbitrary>], iteration_bounds = array<i64: 8>, scalar_prefetch = 0 : i64, scratch_operands = 0 : i64, tpu.core_type = #tpu.core_type<tc>, window_params = [{transform_indices = @transform_0, window_bounds = array<i64: 2, 1024, 128>}, {transform_indices = @transform_1, window_bounds = array<i64: 2, 8, 512>}, {transform_indices = @transform_2, window_bounds = array<i64: 16, 1>}, {transform_indices = @transform_3, window_bounds = array<i64: 16, 1>}, {transform_indices = @transform_4, window_bounds = array<i64: 16, 1>}, {transform_indices = @transform_5, window_bounds = array<i64: 16, 1>}, {pipeline_mode = #tpu.pipeline_mode<synchronous>, transform_indices = @transform_6, window_bounds = array<i64: 68, 65>}, {pipeline_mode = #tpu.pipeline_mode<synchronous>, transform_indices = @transform_7, window_bounds = array<i64: 64, 64>}, {pipeline_mode = #tpu.pipeline_mode<synchronous>, transform_indices = @transform_8, window_bounds = array<i64: 64, 1>}, {pipeline_mode = #tpu.pipeline_mode<synchronous>, transform_indices = @transform_9, window_bounds = array<i64: 3, 1>}, {pipeline_mode = #tpu.pipeline_mode<synchronous>, transform_indices = @transform_10, window_bounds = array<i64: 32, 64>}, {pipeline_mode = #tpu.pipeline_mode<synchronous>, transform_indices = @transform_11, window_bounds = array<i64: 32, 1>}, {transform_indices = @transform_12, window_bounds = array<i64: 2, 32, 1>}]} {
    %iota3A = tpu.iota {dimensions = array<i32: 1>} : vector<1x512xi32>
    %iota3A_0 = tpu.iota {dimensions = array<i32: 1>} : vector<512x512xi32>
    %iota3A_1 = tpu.iota {dimensions = array<i32: 0>} : vector<1024x512xi32>
    %get3A = arith.constant 0 : index
    %get3A_2 = arith.constant 0 : index
    %get3A_3 = arith.constant 0 : index
    %get3A_4 = vector.load %arg1[%get3A, %get3A_2, %get3A_3] : memref<2x1024x128xf32, #tpu.memory_space<vmem>>, vector<1x1024x64xf32>
    %get3A_5 = vector.shape_cast %get3A_4 : vector<1x1024x64xf32> to vector<1024x64xf32>
    %get3A_6 = arith.constant 0 : index
    %get3A_7 = arith.constant 0 : index
    %get3A_8 = arith.constant 0 : index
    %get3A_9 = vector.load %arg2[%get3A_6, %get3A_7, %get3A_8] : memref<2x8x512xi32, #tpu.memory_space<vmem>>, vector<1x8x512xi32>
    %get3A_10 = vector.shape_cast %get3A_9 : vector<1x8x512xi32> to vector<8x512xi32>
    %slice3A = vector.extract_strided_slice %get3A_10 {offsets = [0, 0], sizes = [1, 512], strides = [1, 1]} : vector<8x512xi32> to vector<1x512xi32>
    %slice3A_11 = vector.extract_strided_slice %get3A_10 {offsets = [1, 0], sizes = [1, 512], strides = [1, 1]} : vector<8x512xi32> to vector<1x512xi32>
    %min3A = arith.minsi %slice3A, %slice3A_11 : vector<1x512xi32>
    %slice3A_12 = vector.extract_strided_slice %get3A_10 {offsets = [0, 0], sizes = [1, 512], strides = [1, 1]} : vector<8x512xi32> to vector<1x512xi32>
    %slice3A_13 = vector.extract_strided_slice %get3A_10 {offsets = [1, 0], sizes = [1, 512], strides = [1, 1]} : vector<8x512xi32> to vector<1x512xi32>
    %max3A = arith.maxsi %slice3A_12, %slice3A_13 : vector<1x512xi32>
    %ge3A = vector.broadcast %min3A : vector<1x512xi32> to vector<1024x512xi32>
    %ge3A_14 = arith.cmpi sge, %iota3A_1, %ge3A : vector<1024x512xi32>
    %le3A = vector.broadcast %max3A : vector<1x512xi32> to vector<1024x512xi32>
    %le3A_15 = arith.cmpi sle, %iota3A_1, %le3A : vector<1024x512xi32>
    %and3A = arith.andi %ge3A_14, %le3A_15 : vector<1024x512xi1>
    %convert_element_type3A = arith.extui %and3A : vector<1024x512xi1> to vector<1024x512xi32>
    %convert_element_type3A_16 = arith.sitofp %convert_element_type3A : vector<1024x512xi32> to vector<1024x512xf32>
    %convert_element_type3A_17 = arith.truncf %convert_element_type3A_16 : vector<1024x512xf32> to vector<1024x512xbf16>
    %transpose3A = tpu.transpose %get3A_5, [1, 0] : vector<1024x64xf32> -> vector<64x1024xf32>
    %convert_element_type3A_18 = arith.truncf %transpose3A : vector<64x1024xf32> to vector<64x1024xbf16>
    %dot_general3A = arith.constant dense<0.000000e+00> : vector<64x512xf32>
    %dot_general3A_19 = tpu.matmul %convert_element_type3A_18, %convert_element_type3A_17, %dot_general3A {dimension_numbers = #tpu.dot_dimension_numbers<[1], [0], [0], [1], [0, 0, 1, 1], [], []>, transpose_lhs_hint = false} : vector<64x1024xbf16>, vector<1024x512xbf16>, vector<64x512xf32> -> vector<64x512xf32>
    %sub3A = arith.subi %max3A, %min3A : vector<1x512xi32>
    %add3A = arith.constant 1 : i32
    %add3A_20 = vector.broadcast %add3A : i32 to vector<1x512xi32>
    %add3A_21 = arith.addi %sub3A, %add3A_20 : vector<1x512xi32>
    %convert_element_type3A_22 = arith.sitofp %add3A_21 : vector<1x512xi32> to vector<1x512xf32>
    %mul3A = arith.constant 2 : i32
    %mul3A_23 = arith.muli %mul3A, %arg0 : i32
    %add3A_24 = arith.constant 0 : i32
    %add3A_25 = arith.addi %mul3A_23, %add3A_24 : i32
    %get3A_26 = arith.index_cast %add3A_25 : i32 to index
    %get3A_27 = arith.constant 0 : index
    %get3A_28 = memref.load %arg3[%get3A_26, %get3A_27] : memref<16x1xi32, #tpu.memory_space<smem>>
    %lt3A = vector.broadcast %get3A_28 : i32 to vector<1x512xi32>
    %lt3A_29 = arith.cmpi slt, %iota3A, %lt3A : vector<1x512xi32>
    %convert_element_type3A_30 = arith.extui %lt3A_29 : vector<1x512xi1> to vector<1x512xi32>
    %convert_element_type3A_31 = arith.sitofp %convert_element_type3A_30 : vector<1x512xi32> to vector<1x512xf32>
    %div3A = vector.broadcast %convert_element_type3A_22 : vector<1x512xf32> to vector<64x512xf32>
    %div3A_32 = arith.divf %dot_general3A_19, %div3A : vector<64x512xf32>
    %mul3A_33 = vector.broadcast %convert_element_type3A_31 : vector<1x512xf32> to vector<64x512xf32>
    %mul3A_34 = arith.mulf %div3A_32, %mul3A_33 : vector<64x512xf32>
    %slice3A_35 = vector.extract_strided_slice %get3A_10 {offsets = [2, 0], sizes = [1, 512], strides = [1, 1]} : vector<8x512xi32> to vector<1x512xi32>
    %reshape3A = vector.shape_cast %slice3A_35 : vector<1x512xi32> to vector<512x1xi32>
    %eq3A = vector.broadcast %reshape3A : vector<512x1xi32> to vector<512x512xi32>
    %eq3A_36 = arith.cmpi eq, %eq3A, %iota3A_0 : vector<512x512xi32>
    %convert_element_type3A_37 = arith.extui %eq3A_36 : vector<512x512xi1> to vector<512x512xi32>
    %convert_element_type3A_38 = arith.sitofp %convert_element_type3A_37 : vector<512x512xi32> to vector<512x512xf32>
    %convert_element_type3A_39 = arith.truncf %convert_element_type3A_38 : vector<512x512xf32> to vector<512x512xbf16>
    %slice3A_40 = vector.extract_strided_slice %get3A_10 {offsets = [3, 0], sizes = [1, 512], strides = [1, 1]} : vector<8x512xi32> to vector<1x512xi32>
    %reshape3A_41 = vector.shape_cast %slice3A_40 : vector<1x512xi32> to vector<512x1xi32>
    %eq3A_42 = vector.broadcast %reshape3A_41 : vector<512x1xi32> to vector<512x512xi32>
    %eq3A_43 = arith.cmpi eq, %eq3A_42, %iota3A_0 : vector<512x512xi32>
    %convert_element_type3A_44 = arith.extui %eq3A_43 : vector<512x512xi1> to vector<512x512xi32>
    %convert_element_type3A_45 = arith.sitofp %convert_element_type3A_44 : vector<512x512xi32> to vector<512x512xf32>
    %convert_element_type3A_46 = arith.truncf %convert_element_type3A_45 : vector<512x512xf32> to vector<512x512xbf16>
    %slice3A_47 = vector.extract_strided_slice %get3A_10 {offsets = [4, 0], sizes = [1, 512], strides = [1, 1]} : vector<8x512xi32> to vector<1x512xi32>
    %reshape3A_48 = vector.shape_cast %slice3A_47 : vector<1x512xi32> to vector<512x1xi32>
    %eq3A_49 = vector.broadcast %reshape3A_48 : vector<512x1xi32> to vector<512x512xi32>
    %eq3A_50 = arith.cmpi eq, %eq3A_49, %iota3A_0 : vector<512x512xi32>
    %convert_element_type3A_51 = arith.extui %eq3A_50 : vector<512x512xi1> to vector<512x512xi32>
    %convert_element_type3A_52 = arith.sitofp %convert_element_type3A_51 : vector<512x512xi32> to vector<512x512xf32>
    %convert_element_type3A_53 = arith.truncf %convert_element_type3A_52 : vector<512x512xf32> to vector<512x512xbf16>
    %concatenate3A = tpu.concatenate %convert_element_type3A_39, %convert_element_type3A_46, %convert_element_type3A_53 in 0 : vector<512x512xbf16>, vector<512x512xbf16>, vector<512x512xbf16> -> vector<1536x512xbf16>
    %get3A_54 = arith.constant 1 : index
    %get3A_55 = arith.constant 0 : index
    %get3A_56 = arith.constant 0 : index
    %get3A_57 = vector.load %arg1[%get3A_54, %get3A_55, %get3A_56] : memref<2x1024x128xf32, #tpu.memory_space<vmem>>, vector<1x1024x64xf32>
    %get3A_58 = vector.shape_cast %get3A_57 : vector<1x1024x64xf32> to vector<1024x64xf32>
    %get3A_59 = arith.constant 1 : index
    %get3A_60 = arith.constant 0 : index
    %get3A_61 = arith.constant 0 : index
    %get3A_62 = vector.load %arg2[%get3A_59, %get3A_60, %get3A_61] : memref<2x8x512xi32, #tpu.memory_space<vmem>>, vector<1x8x512xi32>
    %get3A_63 = vector.shape_cast %get3A_62 : vector<1x8x512xi32> to vector<8x512xi32>
    %slice3A_64 = vector.extract_strided_slice %get3A_63 {offsets = [0, 0], sizes = [1, 512], strides = [1, 1]} : vector<8x512xi32> to vector<1x512xi32>
    %slice3A_65 = vector.extract_strided_slice %get3A_63 {offsets = [1, 0], sizes = [1, 512], strides = [1, 1]} : vector<8x512xi32> to vector<1x512xi32>
    %min3A_66 = arith.minsi %slice3A_64, %slice3A_65 : vector<1x512xi32>
    %slice3A_67 = vector.extract_strided_slice %get3A_63 {offsets = [0, 0], sizes = [1, 512], strides = [1, 1]} : vector<8x512xi32> to vector<1x512xi32>
    %slice3A_68 = vector.extract_strided_slice %get3A_63 {offsets = [1, 0], sizes = [1, 512], strides = [1, 1]} : vector<8x512xi32> to vector<1x512xi32>
    %max3A_69 = arith.maxsi %slice3A_67, %slice3A_68 : vector<1x512xi32>
    %ge3A_70 = vector.broadcast %min3A_66 : vector<1x512xi32> to vector<1024x512xi32>
    %ge3A_71 = arith.cmpi sge, %iota3A_1, %ge3A_70 : vector<1024x512xi32>
    %le3A_72 = vector.broadcast %max3A_69 : vector<1x512xi32> to vector<1024x512xi32>
    %le3A_73 = arith.cmpi sle, %iota3A_1, %le3A_72 : vector<1024x512xi32>
    %and3A_74 = arith.andi %ge3A_71, %le3A_73 : vector<1024x512xi1>
    %convert_element_type3A_75 = arith.extui %and3A_74 : vector<1024x512xi1> to vector<1024x512xi32>
    %convert_element_type3A_76 = arith.sitofp %convert_element_type3A_75 : vector<1024x512xi32> to vector<1024x512xf32>
    %convert_element_type3A_77 = arith.truncf %convert_element_type3A_76 : vector<1024x512xf32> to vector<1024x512xbf16>
    %transpose3A_78 = tpu.transpose %get3A_58, [1, 0] : vector<1024x64xf32> -> vector<64x1024xf32>
    %convert_element_type3A_79 = arith.truncf %transpose3A_78 : vector<64x1024xf32> to vector<64x1024xbf16>
    %dot_general3A_80 = arith.constant dense<0.000000e+00> : vector<64x512xf32>
    %dot_general3A_81 = tpu.matmul %convert_element_type3A_79, %convert_element_type3A_77, %dot_general3A_80 {dimension_numbers = #tpu.dot_dimension_numbers<[1], [0], [0], [1], [0, 0, 1, 1], [], []>, transpose_lhs_hint = false} : vector<64x1024xbf16>, vector<1024x512xbf16>, vector<64x512xf32> -> vector<64x512xf32>
    %sub3A_82 = arith.subi %max3A_69, %min3A_66 : vector<1x512xi32>
    %add3A_83 = arith.constant 1 : i32
    %add3A_84 = vector.broadcast %add3A_83 : i32 to vector<1x512xi32>
    %add3A_85 = arith.addi %sub3A_82, %add3A_84 : vector<1x512xi32>
    %convert_element_type3A_86 = arith.sitofp %add3A_85 : vector<1x512xi32> to vector<1x512xf32>
    %mul3A_87 = arith.constant 2 : i32
    %mul3A_88 = arith.muli %mul3A_87, %arg0 : i32
    %add3A_89 = arith.constant 1 : i32
    %add3A_90 = arith.addi %mul3A_88, %add3A_89 : i32
    %get3A_91 = arith.index_cast %add3A_90 : i32 to index
    %get3A_92 = arith.constant 0 : index
    %get3A_93 = memref.load %arg3[%get3A_91, %get3A_92] : memref<16x1xi32, #tpu.memory_space<smem>>
    %lt3A_94 = vector.broadcast %get3A_93 : i32 to vector<1x512xi32>
    %lt3A_95 = arith.cmpi slt, %iota3A, %lt3A_94 : vector<1x512xi32>
    %convert_element_type3A_96 = arith.extui %lt3A_95 : vector<1x512xi1> to vector<1x512xi32>
    %convert_element_type3A_97 = arith.sitofp %convert_element_type3A_96 : vector<1x512xi32> to vector<1x512xf32>
    %div3A_98 = vector.broadcast %convert_element_type3A_86 : vector<1x512xf32> to vector<64x512xf32>
    %div3A_99 = arith.divf %dot_general3A_81, %div3A_98 : vector<64x512xf32>
    %mul3A_100 = vector.broadcast %convert_element_type3A_97 : vector<1x512xf32> to vector<64x512xf32>
    %mul3A_101 = arith.mulf %div3A_99, %mul3A_100 : vector<64x512xf32>
    %slice3A_102 = vector.extract_strided_slice %get3A_63 {offsets = [2, 0], sizes = [1, 512], strides = [1, 1]} : vector<8x512xi32> to vector<1x512xi32>
    %reshape3A_103 = vector.shape_cast %slice3A_102 : vector<1x512xi32> to vector<512x1xi32>
    %eq3A_104 = vector.broadcast %reshape3A_103 : vector<512x1xi32> to vector<512x512xi32>
    %eq3A_105 = arith.cmpi eq, %eq3A_104, %iota3A_0 : vector<512x512xi32>
    %convert_element_type3A_106 = arith.extui %eq3A_105 : vector<512x512xi1> to vector<512x512xi32>
    %convert_element_type3A_107 = arith.sitofp %convert_element_type3A_106 : vector<512x512xi32> to vector<512x512xf32>
    %convert_element_type3A_108 = arith.truncf %convert_element_type3A_107 : vector<512x512xf32> to vector<512x512xbf16>
    %slice3A_109 = vector.extract_strided_slice %get3A_63 {offsets = [3, 0], sizes = [1, 512], strides = [1, 1]} : vector<8x512xi32> to vector<1x512xi32>
    %reshape3A_110 = vector.shape_cast %slice3A_109 : vector<1x512xi32> to vector<512x1xi32>
    %eq3A_111 = vector.broadcast %reshape3A_110 : vector<512x1xi32> to vector<512x512xi32>
    %eq3A_112 = arith.cmpi eq, %eq3A_111, %iota3A_0 : vector<512x512xi32>
    %convert_element_type3A_113 = arith.extui %eq3A_112 : vector<512x512xi1> to vector<512x512xi32>
    %convert_element_type3A_114 = arith.sitofp %convert_element_type3A_113 : vector<512x512xi32> to vector<512x512xf32>
    %convert_element_type3A_115 = arith.truncf %convert_element_type3A_114 : vector<512x512xf32> to vector<512x512xbf16>
    %slice3A_116 = vector.extract_strided_slice %get3A_63 {offsets = [4, 0], sizes = [1, 512], strides = [1, 1]} : vector<8x512xi32> to vector<1x512xi32>
    %reshape3A_117 = vector.shape_cast %slice3A_116 : vector<1x512xi32> to vector<512x1xi32>
    %eq3A_118 = vector.broadcast %reshape3A_117 : vector<512x1xi32> to vector<512x512xi32>
    %eq3A_119 = arith.cmpi eq, %eq3A_118, %iota3A_0 : vector<512x512xi32>
    %convert_element_type3A_120 = arith.extui %eq3A_119 : vector<512x512xi1> to vector<512x512xi32>
    %convert_element_type3A_121 = arith.sitofp %convert_element_type3A_120 : vector<512x512xi32> to vector<512x512xf32>
    %convert_element_type3A_122 = arith.truncf %convert_element_type3A_121 : vector<512x512xf32> to vector<512x512xbf16>
    %concatenate3A_123 = tpu.concatenate %convert_element_type3A_108, %convert_element_type3A_115, %convert_element_type3A_122 in 0 : vector<512x512xbf16>, vector<512x512xbf16>, vector<512x512xbf16> -> vector<1536x512xbf16>
    %concatenate3A_124 = tpu.concatenate %mul3A_34, %mul3A_101 in 1 : vector<64x512xf32>, vector<64x512xf32> -> vector<64x1024xf32>
    %get3A_125 = arith.constant 0 : index
    %get3A_126 = arith.constant 0 : index
    %get3A_127 = vector.load %arg8[%get3A_125, %get3A_126] : memref<64x64xf32, #tpu.memory_space<vmem>>, vector<64x64xf32>
    %dot_general3A_128 = arith.constant dense<0.000000e+00> : vector<64x1024xf32>
    %dot_general3A_129 = tpu.matmul %get3A_127, %concatenate3A_124, %dot_general3A_128 {dimension_numbers = #tpu.dot_dimension_numbers<[1], [0], [0], [1], [0, 0, 1, 1], [], []>, transpose_lhs_hint = false} : vector<64x64xf32>, vector<64x1024xf32>, vector<64x1024xf32> -> vector<64x1024xf32>
    %get3A_130 = arith.constant 0 : index
    %get3A_131 = arith.constant 0 : index
    %get3A_132 = vector.load %arg9[%get3A_130, %get3A_131] : memref<64x1xf32, #tpu.memory_space<vmem>>, vector<64x1xf32>
    %add3A_133 = vector.broadcast %get3A_132 : vector<64x1xf32> to vector<64x1024xf32>
    %add3A_134 = arith.addf %dot_general3A_129, %add3A_133 : vector<64x1024xf32>
    %broadcast_in_dim3A = arith.constant 2.000000e+01 : f32
    %broadcast_in_dim3A_135 = vector.broadcast %broadcast_in_dim3A : f32 to vector<1x1024xf32>
    %concatenate3A_136 = tpu.concatenate %add3A_134, %broadcast_in_dim3A_135 in 0 : vector<64x1024xf32>, vector<1x1024xf32> -> vector<65x1024xf32>
    %broadcast_in_dim3A_137 = arith.constant 1.000000e+00 : f32
    %broadcast_in_dim3A_138 = vector.broadcast %broadcast_in_dim3A_137 : f32 to vector<1x1024xf32>
    %concatenate3A_139 = tpu.concatenate %concatenate3A_124, %broadcast_in_dim3A_138 in 0 : vector<64x1024xf32>, vector<1x1024xf32> -> vector<65x1024xf32>
    %iota3A_140 = tpu.iota {dimensions = array<i32: 1>} : vector<1x1024xi32>
    %mul3A_141 = arith.constant 2 : i32
    %mul3A_142 = arith.muli %mul3A_141, %arg0 : i32
    %get3A_143 = arith.index_cast %mul3A_142 : i32 to index
    %get3A_144 = arith.constant 0 : index
    %get3A_145 = memref.load %arg4[%get3A_143, %get3A_144] : memref<16x1xi32, #tpu.memory_space<smem>>
    %mul3A_146 = arith.constant 2 : i32
    %mul3A_147 = arith.muli %mul3A_146, %arg0 : i32
    %add3A_148 = arith.constant 1 : i32
    %add3A_149 = arith.addi %mul3A_147, %add3A_148 : i32
    %get3A_150 = arith.index_cast %add3A_149 : i32 to index
    %get3A_151 = arith.constant 0 : index
    %get3A_152 = memref.load %arg4[%get3A_150, %get3A_151] : memref<16x1xi32, #tpu.memory_space<smem>>
    %eq3A_153 = vector.broadcast %get3A_145 : i32 to vector<1x1024xi32>
    %eq3A_154 = arith.cmpi eq, %iota3A_140, %eq3A_153 : vector<1x1024xi32>
    %add3A_155 = arith.constant 512 : i32
    %add3A_156 = arith.addi %get3A_152, %add3A_155 : i32
    %eq3A_157 = vector.broadcast %add3A_156 : i32 to vector<1x1024xi32>
    %eq3A_158 = arith.cmpi eq, %iota3A_140, %eq3A_157 : vector<1x1024xi32>
    %or3A = arith.ori %eq3A_154, %eq3A_158 : vector<1x1024xi1>
    %convert_element_type3A_159 = arith.extui %or3A : vector<1x1024xi1> to vector<1x1024xi32>
    %convert_element_type3A_160 = arith.sitofp %convert_element_type3A_159 : vector<1x1024xi32> to vector<1x1024xf32>
    %mul3A_161 = arith.constant 2 : i32
    %mul3A_162 = arith.muli %mul3A_161, %arg0 : i32
    %get3A_163 = arith.index_cast %mul3A_162 : i32 to index
    %get3A_164 = arith.constant 0 : index
    %get3A_165 = memref.load %arg6[%get3A_163, %get3A_164] : memref<16x1xi32, #tpu.memory_space<smem>>
    %mul3A_166 = arith.constant 2 : i32
    %mul3A_167 = arith.muli %mul3A_166, %arg0 : i32
    %add3A_168 = arith.constant 1 : i32
    %add3A_169 = arith.addi %mul3A_167, %add3A_168 : i32
    %get3A_170 = arith.index_cast %add3A_169 : i32 to index
    %get3A_171 = arith.constant 0 : index
    %get3A_172 = memref.load %arg6[%get3A_170, %get3A_171] : memref<16x1xi32, #tpu.memory_space<smem>>
    %lt3A_173 = arith.constant 512 : i32
    %lt3A_174 = vector.broadcast %lt3A_173 : i32 to vector<1x1024xi32>
    %lt3A_175 = arith.cmpi slt, %iota3A_140, %lt3A_174 : vector<1x1024xi32>
    %broadcast_in_dim3A_176 = vector.broadcast %get3A_165 : i32 to vector<1x1024xi32>
    %broadcast_in_dim3A_177 = vector.broadcast %get3A_172 : i32 to vector<1x1024xi32>
    %select_n3A = arith.select %lt3A_175, %broadcast_in_dim3A_176, %broadcast_in_dim3A_177 : vector<1x1024xi1>, vector<1x1024xi32>
    %get3A_178 = arith.constant 0 : index
    %get3A_179 = arith.constant 0 : index
    %get3A_180 = vector.load %arg7[%get3A_178, %get3A_179] : memref<68x65xf32, #tpu.memory_space<vmem>>, vector<68x65xf32>
    %get3A_181 = arith.constant 0 : index
    %get3A_182 = arith.constant 0 : index
    %get3A_183 = vector.load %arg10[%get3A_181, %get3A_182] : memref<3x1xf32, #tpu.memory_space<vmem>>, vector<3x1xf32>
    %max3A_184 = arith.maxsi %get3A_165, %get3A_172 : i32
    %while3A = arith.constant 0 : i32
    %while3A_185 = arith.subi %max3A_184, %while3A : i32
    %while3A_186 = arith.addi %while3A, %while3A_185 : i32
    %while3A_187 = arith.constant 1 : i32
    %while3A_188 = arith.divsi %while3A_185, %while3A_187 : i32
    %while3A_189 = arith.muli %while3A_188, %while3A_187 : i32
    %while3A_190 = arith.addi %while3A, %while3A_189 : i32
    %while3A_191 = arith.constant 1 : i32
    %while3A_192:2 = scf.for %while3A_358 = %while3A to %while3A_190 step %while3A_191 iter_args(%while3A_359 = %concatenate3A_139, %while3A_360 = %convert_element_type3A_160) -> (vector<65x1024xf32>, vector<1x1024xf32>)  : i32 {
      %dot_general3A_361 = arith.constant dense<0.000000e+00> : vector<68x1024xf32>
      %dot_general3A_362 = tpu.matmul %get3A_180, %while3A_359, %dot_general3A_361 {dimension_numbers = #tpu.dot_dimension_numbers<[1], [0], [0], [1], [0, 0, 1, 1], [], []>, transpose_lhs_hint = false} : vector<68x65xf32>, vector<65x1024xf32>, vector<68x1024xf32> -> vector<68x1024xf32>
      %slice3A_363 = vector.extract_strided_slice %dot_general3A_362 {offsets = [65, 0], sizes = [3, 1024], strides = [1, 1]} : vector<68x1024xf32> to vector<3x1024xf32>
      %add3A_364 = vector.broadcast %get3A_183 : vector<3x1xf32> to vector<3x1024xf32>
      %add3A_365 = arith.addf %slice3A_363, %add3A_364 : vector<3x1024xf32>
      %reduce_max3A_366 = arith.constant dense<0xFF800000> : vector<1024xf32>
      %reduce_max3A_367 = vector.multi_reduction <maximumf>, %add3A_365, %reduce_max3A_366 [0] : vector<3x1024xf32> to vector<1024xf32>
      %broadcast_in_dim3A_368 = vector.shape_cast %reduce_max3A_367 : vector<1024xf32> to vector<1x1024xf32>
      %sub3A_369 = vector.broadcast %broadcast_in_dim3A_368 : vector<1x1024xf32> to vector<3x1024xf32>
      %sub3A_370 = arith.subf %add3A_365, %sub3A_369 : vector<3x1024xf32>
      %exp3A_371 = math.exp %sub3A_370 : vector<3x1024xf32>
      %reduce_sum3A_372 = arith.constant dense<0.000000e+00> : vector<1024xf32>
      %reduce_sum3A_373 = vector.multi_reduction <add>, %exp3A_371, %reduce_sum3A_372 [0] : vector<3x1024xf32> to vector<1024xf32>
      %broadcast_in_dim3A_374 = vector.shape_cast %reduce_sum3A_373 : vector<1024xf32> to vector<1x1024xf32>
      %div3A_375 = vector.broadcast %broadcast_in_dim3A_374 : vector<1x1024xf32> to vector<3x1024xf32>
      %div3A_376 = arith.divf %exp3A_371, %div3A_375 : vector<3x1024xf32>
      %slice3A_377 = vector.extract_strided_slice %dot_general3A_362 {offsets = [0, 0], sizes = [65, 1024], strides = [1, 1]} : vector<68x1024xf32> to vector<65x1024xf32>
      %add3A_378 = arith.addf %slice3A_377, %concatenate3A_136 : vector<65x1024xf32>
      %tanh3A = math.tanh %add3A_378 : vector<65x1024xf32>
      %convert_element_type3A_379 = arith.truncf %tanh3A : vector<65x1024xf32> to vector<65x1024xbf16>
      %slice3A_380 = vector.extract_strided_slice %div3A_376 {offsets = [0, 0], sizes = [1, 1024], strides = [1, 1]} : vector<3x1024xf32> to vector<1x1024xf32>
      %mul3A_381 = arith.mulf %while3A_360, %slice3A_380 : vector<1x1024xf32>
      %convert_element_type3A_382 = arith.truncf %mul3A_381 : vector<1x1024xf32> to vector<1x1024xbf16>
      %mul3A_383 = vector.broadcast %convert_element_type3A_382 : vector<1x1024xbf16> to vector<65x1024xbf16>
      %mul3A_384 = arith.mulf %convert_element_type3A_379, %mul3A_383 : vector<65x1024xbf16>
      %slice3A_385 = vector.extract_strided_slice %div3A_376 {offsets = [1, 0], sizes = [1, 1024], strides = [1, 1]} : vector<3x1024xf32> to vector<1x1024xf32>
      %mul3A_386 = arith.mulf %while3A_360, %slice3A_385 : vector<1x1024xf32>
      %convert_element_type3A_387 = arith.truncf %mul3A_386 : vector<1x1024xf32> to vector<1x1024xbf16>
      %mul3A_388 = vector.broadcast %convert_element_type3A_387 : vector<1x1024xbf16> to vector<65x1024xbf16>
      %mul3A_389 = arith.mulf %convert_element_type3A_379, %mul3A_388 : vector<65x1024xbf16>
      %slice3A_390 = vector.extract_strided_slice %div3A_376 {offsets = [2, 0], sizes = [1, 1024], strides = [1, 1]} : vector<3x1024xf32> to vector<1x1024xf32>
      %mul3A_391 = arith.mulf %while3A_360, %slice3A_390 : vector<1x1024xf32>
      %convert_element_type3A_392 = arith.truncf %mul3A_391 : vector<1x1024xf32> to vector<1x1024xbf16>
      %mul3A_393 = vector.broadcast %convert_element_type3A_392 : vector<1x1024xbf16> to vector<65x1024xbf16>
      %mul3A_394 = arith.mulf %convert_element_type3A_379, %mul3A_393 : vector<65x1024xbf16>
      %slice3A_395 = vector.extract_strided_slice %mul3A_384 {offsets = [0, 0], sizes = [65, 512], strides = [1, 1]} : vector<65x1024xbf16> to vector<65x512xbf16>
      %slice3A_396 = vector.extract_strided_slice %mul3A_389 {offsets = [0, 0], sizes = [65, 512], strides = [1, 1]} : vector<65x1024xbf16> to vector<65x512xbf16>
      %slice3A_397 = vector.extract_strided_slice %mul3A_394 {offsets = [0, 0], sizes = [65, 512], strides = [1, 1]} : vector<65x1024xbf16> to vector<65x512xbf16>
      %concatenate3A_398 = tpu.concatenate %slice3A_395, %slice3A_396, %slice3A_397 in 1 : vector<65x512xbf16>, vector<65x512xbf16>, vector<65x512xbf16> -> vector<65x1536xbf16>
      %dot_general3A_399 = arith.constant dense<0.000000e+00> : vector<65x512xf32>
      %dot_general3A_400 = tpu.matmul %concatenate3A_398, %concatenate3A, %dot_general3A_399 {dimension_numbers = #tpu.dot_dimension_numbers<[1], [0], [0], [1], [0, 0, 1, 1], [], []>, transpose_lhs_hint = false} : vector<65x1536xbf16>, vector<1536x512xbf16>, vector<65x512xf32> -> vector<65x512xf32>
      %slice3A_401 = vector.extract_strided_slice %mul3A_384 {offsets = [0, 512], sizes = [65, 512], strides = [1, 1]} : vector<65x1024xbf16> to vector<65x512xbf16>
      %slice3A_402 = vector.extract_strided_slice %mul3A_389 {offsets = [0, 512], sizes = [65, 512], strides = [1, 1]} : vector<65x1024xbf16> to vector<65x512xbf16>
      %slice3A_403 = vector.extract_strided_slice %mul3A_394 {offsets = [0, 512], sizes = [65, 512], strides = [1, 1]} : vector<65x1024xbf16> to vector<65x512xbf16>
      %concatenate3A_404 = tpu.concatenate %slice3A_401, %slice3A_402, %slice3A_403 in 1 : vector<65x512xbf16>, vector<65x512xbf16>, vector<65x512xbf16> -> vector<65x1536xbf16>
      %dot_general3A_405 = arith.constant dense<0.000000e+00> : vector<65x512xf32>
      %dot_general3A_406 = tpu.matmul %concatenate3A_404, %concatenate3A_123, %dot_general3A_405 {dimension_numbers = #tpu.dot_dimension_numbers<[1], [0], [0], [1], [0, 0, 1, 1], [], []>, transpose_lhs_hint = false} : vector<65x1536xbf16>, vector<1536x512xbf16>, vector<65x512xf32> -> vector<65x512xf32>
      %concatenate3A_407 = tpu.concatenate %dot_general3A_400, %dot_general3A_406 in 1 : vector<65x512xf32>, vector<65x512xf32> -> vector<65x1024xf32>
      %slice3A_408 = vector.extract_strided_slice %concatenate3A_407 {offsets = [64, 0], sizes = [1, 1024], strides = [1, 1]} : vector<65x1024xf32> to vector<1x1024xf32>
      %max3A_409 = arith.constant 9.99999971E-10 : f32
      %max3A_410 = vector.broadcast %max3A_409 : f32 to vector<1x1024xf32>
      %max3A_411 = arith.maximumf %slice3A_408, %max3A_410 : vector<1x1024xf32>
      %div3A_412 = vector.broadcast %max3A_411 : vector<1x1024xf32> to vector<65x1024xf32>
      %div3A_413 = arith.divf %concatenate3A_407, %div3A_412 : vector<65x1024xf32>
      %lt3A_414 = vector.broadcast %while3A_358 : i32 to vector<1x1024xi32>
      %lt3A_415 = arith.cmpi slt, %lt3A_414, %select_n3A : vector<1x1024xi32>
      %broadcast_in_dim3A_416 = vector.shape_cast %lt3A_415 : vector<1x1024xi1> to vector<1x1024xi1>
      %broadcast_in_dim3A_417 = vector.broadcast %broadcast_in_dim3A_416 : vector<1x1024xi1> to vector<65x1024xi1>
      %select_n3A_418 = arith.select %broadcast_in_dim3A_417, %div3A_413, %while3A_359 : vector<65x1024xi1>, vector<65x1024xf32>
      %select_n3A_419 = arith.select %lt3A_415, %slice3A_408, %while3A_360 : vector<1x1024xi1>, vector<1x1024xf32>
      scf.yield %select_n3A_418, %select_n3A_419 : vector<65x1024xf32>, vector<1x1024xf32>
    }
    %while3A_193 = arith.constant 1 : i32
    %while3A_194:2 = scf.for %while3A_358 = %while3A_190 to %while3A_186 step %while3A_193 iter_args(%while3A_359 = %while3A_192#0, %while3A_360 = %while3A_192#1) -> (vector<65x1024xf32>, vector<1x1024xf32>)  : i32 {
      %dot_general3A_361 = arith.constant dense<0.000000e+00> : vector<68x1024xf32>
      %dot_general3A_362 = tpu.matmul %get3A_180, %while3A_359, %dot_general3A_361 {dimension_numbers = #tpu.dot_dimension_numbers<[1], [0], [0], [1], [0, 0, 1, 1], [], []>, transpose_lhs_hint = false} : vector<68x65xf32>, vector<65x1024xf32>, vector<68x1024xf32> -> vector<68x1024xf32>
      %slice3A_363 = vector.extract_strided_slice %dot_general3A_362 {offsets = [65, 0], sizes = [3, 1024], strides = [1, 1]} : vector<68x1024xf32> to vector<3x1024xf32>
      %add3A_364 = vector.broadcast %get3A_183 : vector<3x1xf32> to vector<3x1024xf32>
      %add3A_365 = arith.addf %slice3A_363, %add3A_364 : vector<3x1024xf32>
      %reduce_max3A_366 = arith.constant dense<0xFF800000> : vector<1024xf32>
      %reduce_max3A_367 = vector.multi_reduction <maximumf>, %add3A_365, %reduce_max3A_366 [0] : vector<3x1024xf32> to vector<1024xf32>
      %broadcast_in_dim3A_368 = vector.shape_cast %reduce_max3A_367 : vector<1024xf32> to vector<1x1024xf32>
      %sub3A_369 = vector.broadcast %broadcast_in_dim3A_368 : vector<1x1024xf32> to vector<3x1024xf32>
      %sub3A_370 = arith.subf %add3A_365, %sub3A_369 : vector<3x1024xf32>
      %exp3A_371 = math.exp %sub3A_370 : vector<3x1024xf32>
      %reduce_sum3A_372 = arith.constant dense<0.000000e+00> : vector<1024xf32>
      %reduce_sum3A_373 = vector.multi_reduction <add>, %exp3A_371, %reduce_sum3A_372 [0] : vector<3x1024xf32> to vector<1024xf32>
      %broadcast_in_dim3A_374 = vector.shape_cast %reduce_sum3A_373 : vector<1024xf32> to vector<1x1024xf32>
      %div3A_375 = vector.broadcast %broadcast_in_dim3A_374 : vector<1x1024xf32> to vector<3x1024xf32>
      %div3A_376 = arith.divf %exp3A_371, %div3A_375 : vector<3x1024xf32>
      %slice3A_377 = vector.extract_strided_slice %dot_general3A_362 {offsets = [0, 0], sizes = [65, 1024], strides = [1, 1]} : vector<68x1024xf32> to vector<65x1024xf32>
      %add3A_378 = arith.addf %slice3A_377, %concatenate3A_136 : vector<65x1024xf32>
      %tanh3A = math.tanh %add3A_378 : vector<65x1024xf32>
      %convert_element_type3A_379 = arith.truncf %tanh3A : vector<65x1024xf32> to vector<65x1024xbf16>
      %slice3A_380 = vector.extract_strided_slice %div3A_376 {offsets = [0, 0], sizes = [1, 1024], strides = [1, 1]} : vector<3x1024xf32> to vector<1x1024xf32>
      %mul3A_381 = arith.mulf %while3A_360, %slice3A_380 : vector<1x1024xf32>
      %convert_element_type3A_382 = arith.truncf %mul3A_381 : vector<1x1024xf32> to vector<1x1024xbf16>
      %mul3A_383 = vector.broadcast %convert_element_type3A_382 : vector<1x1024xbf16> to vector<65x1024xbf16>
      %mul3A_384 = arith.mulf %convert_element_type3A_379, %mul3A_383 : vector<65x1024xbf16>
      %slice3A_385 = vector.extract_strided_slice %div3A_376 {offsets = [1, 0], sizes = [1, 1024], strides = [1, 1]} : vector<3x1024xf32> to vector<1x1024xf32>
      %mul3A_386 = arith.mulf %while3A_360, %slice3A_385 : vector<1x1024xf32>
      %convert_element_type3A_387 = arith.truncf %mul3A_386 : vector<1x1024xf32> to vector<1x1024xbf16>
      %mul3A_388 = vector.broadcast %convert_element_type3A_387 : vector<1x1024xbf16> to vector<65x1024xbf16>
      %mul3A_389 = arith.mulf %convert_element_type3A_379, %mul3A_388 : vector<65x1024xbf16>
      %slice3A_390 = vector.extract_strided_slice %div3A_376 {offsets = [2, 0], sizes = [1, 1024], strides = [1, 1]} : vector<3x1024xf32> to vector<1x1024xf32>
      %mul3A_391 = arith.mulf %while3A_360, %slice3A_390 : vector<1x1024xf32>
      %convert_element_type3A_392 = arith.truncf %mul3A_391 : vector<1x1024xf32> to vector<1x1024xbf16>
      %mul3A_393 = vector.broadcast %convert_element_type3A_392 : vector<1x1024xbf16> to vector<65x1024xbf16>
      %mul3A_394 = arith.mulf %convert_element_type3A_379, %mul3A_393 : vector<65x1024xbf16>
      %slice3A_395 = vector.extract_strided_slice %mul3A_384 {offsets = [0, 0], sizes = [65, 512], strides = [1, 1]} : vector<65x1024xbf16> to vector<65x512xbf16>
      %slice3A_396 = vector.extract_strided_slice %mul3A_389 {offsets = [0, 0], sizes = [65, 512], strides = [1, 1]} : vector<65x1024xbf16> to vector<65x512xbf16>
      %slice3A_397 = vector.extract_strided_slice %mul3A_394 {offsets = [0, 0], sizes = [65, 512], strides = [1, 1]} : vector<65x1024xbf16> to vector<65x512xbf16>
      %concatenate3A_398 = tpu.concatenate %slice3A_395, %slice3A_396, %slice3A_397 in 1 : vector<65x512xbf16>, vector<65x512xbf16>, vector<65x512xbf16> -> vector<65x1536xbf16>
      %dot_general3A_399 = arith.constant dense<0.000000e+00> : vector<65x512xf32>
      %dot_general3A_400 = tpu.matmul %concatenate3A_398, %concatenate3A, %dot_general3A_399 {dimension_numbers = #tpu.dot_dimension_numbers<[1], [0], [0], [1], [0, 0, 1, 1], [], []>, transpose_lhs_hint = false} : vector<65x1536xbf16>, vector<1536x512xbf16>, vector<65x512xf32> -> vector<65x512xf32>
      %slice3A_401 = vector.extract_strided_slice %mul3A_384 {offsets = [0, 512], sizes = [65, 512], strides = [1, 1]} : vector<65x1024xbf16> to vector<65x512xbf16>
      %slice3A_402 = vector.extract_strided_slice %mul3A_389 {offsets = [0, 512], sizes = [65, 512], strides = [1, 1]} : vector<65x1024xbf16> to vector<65x512xbf16>
      %slice3A_403 = vector.extract_strided_slice %mul3A_394 {offsets = [0, 512], sizes = [65, 512], strides = [1, 1]} : vector<65x1024xbf16> to vector<65x512xbf16>
      %concatenate3A_404 = tpu.concatenate %slice3A_401, %slice3A_402, %slice3A_403 in 1 : vector<65x512xbf16>, vector<65x512xbf16>, vector<65x512xbf16> -> vector<65x1536xbf16>
      %dot_general3A_405 = arith.constant dense<0.000000e+00> : vector<65x512xf32>
      %dot_general3A_406 = tpu.matmul %concatenate3A_404, %concatenate3A_123, %dot_general3A_405 {dimension_numbers = #tpu.dot_dimension_numbers<[1], [0], [0], [1], [0, 0, 1, 1], [], []>, transpose_lhs_hint = false} : vector<65x1536xbf16>, vector<1536x512xbf16>, vector<65x512xf32> -> vector<65x512xf32>
      %concatenate3A_407 = tpu.concatenate %dot_general3A_400, %dot_general3A_406 in 1 : vector<65x512xf32>, vector<65x512xf32> -> vector<65x1024xf32>
      %slice3A_408 = vector.extract_strided_slice %concatenate3A_407 {offsets = [64, 0], sizes = [1, 1024], strides = [1, 1]} : vector<65x1024xf32> to vector<1x1024xf32>
      %max3A_409 = arith.constant 9.99999971E-10 : f32
      %max3A_410 = vector.broadcast %max3A_409 : f32 to vector<1x1024xf32>
      %max3A_411 = arith.maximumf %slice3A_408, %max3A_410 : vector<1x1024xf32>
      %div3A_412 = vector.broadcast %max3A_411 : vector<1x1024xf32> to vector<65x1024xf32>
      %div3A_413 = arith.divf %concatenate3A_407, %div3A_412 : vector<65x1024xf32>
      %lt3A_414 = vector.broadcast %while3A_358 : i32 to vector<1x1024xi32>
      %lt3A_415 = arith.cmpi slt, %lt3A_414, %select_n3A : vector<1x1024xi32>
      %broadcast_in_dim3A_416 = vector.shape_cast %lt3A_415 : vector<1x1024xi1> to vector<1x1024xi1>
      %broadcast_in_dim3A_417 = vector.broadcast %broadcast_in_dim3A_416 : vector<1x1024xi1> to vector<65x1024xi1>
      %select_n3A_418 = arith.select %broadcast_in_dim3A_417, %div3A_413, %while3A_359 : vector<65x1024xi1>, vector<65x1024xf32>
      %select_n3A_419 = arith.select %lt3A_415, %slice3A_408, %while3A_360 : vector<1x1024xi1>, vector<1x1024xf32>
      scf.yield %select_n3A_418, %select_n3A_419 : vector<65x1024xf32>, vector<1x1024xf32>
    }
    %slice3A_195 = vector.extract_strided_slice %while3A_194#0 {offsets = [0, 0], sizes = [64, 512], strides = [1, 1]} : vector<65x1024xf32> to vector<64x512xf32>
    %slice3A_196 = vector.extract_strided_slice %while3A_194#1 {offsets = [0, 0], sizes = [1, 512], strides = [1, 1]} : vector<1x1024xf32> to vector<1x512xf32>
    %mul3A_197 = arith.constant 2 : i32
    %mul3A_198 = arith.muli %mul3A_197, %arg0 : i32
    %add3A_199 = arith.constant 0 : i32
    %add3A_200 = arith.addi %mul3A_198, %add3A_199 : i32
    %get3A_201 = arith.index_cast %add3A_200 : i32 to index
    %get3A_202 = arith.constant 0 : index
    %get3A_203 = memref.load %arg5[%get3A_201, %get3A_202] : memref<16x1xi32, #tpu.memory_space<smem>>
    %add3A_204 = arith.constant 1 : i32
    %add3A_205 = arith.addi %get3A_203, %add3A_204 : i32
    %min3A_206 = arith.constant 511 : i32
    %min3A_207 = arith.minsi %add3A_205, %min3A_206 : i32
    %eq3A_208 = vector.broadcast %get3A_203 : i32 to vector<1x512xi32>
    %eq3A_209 = arith.cmpi eq, %iota3A, %eq3A_208 : vector<1x512xi32>
    %convert_element_type3A_210 = arith.extui %eq3A_209 : vector<1x512xi1> to vector<1x512xi32>
    %convert_element_type3A_211 = arith.sitofp %convert_element_type3A_210 : vector<1x512xi32> to vector<1x512xf32>
    %eq3A_212 = vector.broadcast %min3A_207 : i32 to vector<1x512xi32>
    %eq3A_213 = arith.cmpi eq, %iota3A, %eq3A_212 : vector<1x512xi32>
    %convert_element_type3A_214 = arith.extui %eq3A_213 : vector<1x512xi1> to vector<1x512xi32>
    %convert_element_type3A_215 = arith.sitofp %convert_element_type3A_214 : vector<1x512xi32> to vector<1x512xf32>
    %mul3A_216 = arith.mulf %slice3A_196, %convert_element_type3A_211 : vector<1x512xf32>
    %reduce_sum3A = vector.shape_cast %mul3A_216 : vector<1x512xf32> to vector<1x1x512xf32>
    %reduce_sum3A_217 = arith.constant dense<0.000000e+00> : vector<1xf32>
    %reduce_sum3A_218 = vector.multi_reduction <add>, %reduce_sum3A, %reduce_sum3A_217 [1, 2] : vector<1x1x512xf32> to vector<1xf32>
    %reduce_sum3A_219 = vector.shape_cast %reduce_sum3A_218 : vector<1xf32> to vector<1x1x1xf32>
    %reduce_sum3A_220 = vector.extract %reduce_sum3A_219[0, 0, 0] : f32 from vector<1x1x1xf32>
    %mul3A_221 = arith.mulf %slice3A_196, %convert_element_type3A_215 : vector<1x512xf32>
    %reduce_sum3A_222 = vector.shape_cast %mul3A_221 : vector<1x512xf32> to vector<1x1x512xf32>
    %reduce_sum3A_223 = arith.constant dense<0.000000e+00> : vector<1xf32>
    %reduce_sum3A_224 = vector.multi_reduction <add>, %reduce_sum3A_222, %reduce_sum3A_223 [1, 2] : vector<1x1x512xf32> to vector<1xf32>
    %reduce_sum3A_225 = vector.shape_cast %reduce_sum3A_224 : vector<1xf32> to vector<1x1x1xf32>
    %reduce_sum3A_226 = vector.extract %reduce_sum3A_225[0, 0, 0] : f32 from vector<1x1x1xf32>
    %mul3A_227 = vector.broadcast %convert_element_type3A_215 : vector<1x512xf32> to vector<64x512xf32>
    %mul3A_228 = arith.mulf %slice3A_195, %mul3A_227 : vector<64x512xf32>
    %reduce_sum3A_229 = arith.constant dense<0.000000e+00> : vector<64xf32>
    %reduce_sum3A_230 = vector.multi_reduction <add>, %mul3A_228, %reduce_sum3A_229 [1] : vector<64x512xf32> to vector<64xf32>
    %broadcast_in_dim3A_231 = vector.shape_cast %reduce_sum3A_230 : vector<64xf32> to vector<64x1xf32>
    %get3A_232 = arith.constant 0 : index
    %get3A_233 = arith.constant 0 : index
    %get3A_234 = vector.load %arg11[%get3A_232, %get3A_233] : memref<32x64xf32, #tpu.memory_space<vmem>>, vector<32x64xf32>
    %dot_general3A_235 = arith.constant dense<0.000000e+00> : vector<32x1xf32>
    %dot_general3A_236 = tpu.matmul %get3A_234, %broadcast_in_dim3A_231, %dot_general3A_235 {dimension_numbers = #tpu.dot_dimension_numbers<[1], [0], [0], [1], [0, 0, 1, 1], [], []>, transpose_lhs_hint = false} : vector<32x64xf32>, vector<64x1xf32>, vector<32x1xf32> -> vector<32x1xf32>
    %get3A_237 = arith.constant 0 : index
    %get3A_238 = arith.constant 0 : index
    %get3A_239 = vector.load %arg12[%get3A_237, %get3A_238] : memref<32x1xf32, #tpu.memory_space<vmem>>, vector<32x1xf32>
    %add3A_240 = arith.addf %dot_general3A_236, %get3A_239 : vector<32x1xf32>
    %iota3A_241 = tpu.iota {dimensions = array<i32: 0>} : vector<32x1xi32>
    %eq3A_242 = arith.constant 0 : i32
    %eq3A_243 = vector.broadcast %eq3A_242 : i32 to vector<32x1xi32>
    %eq3A_244 = arith.cmpi eq, %iota3A_241, %eq3A_243 : vector<32x1xi32>
    %jit3A = arith.constant 0xFF800000 : f32
    %broadcast_in_dim3A_245 = vector.broadcast %jit3A : f32 to vector<32x1xf32>
    %select_n3A_246 = arith.select %eq3A_244, %broadcast_in_dim3A_245, %add3A_240 : vector<32x1xi1>, vector<32x1xf32>
    %reduce_max3A = arith.constant dense<0xFF800000> : vector<1xf32>
    %reduce_max3A_247 = vector.multi_reduction <maximumf>, %select_n3A_246, %reduce_max3A [0] : vector<32x1xf32> to vector<1xf32>
    %broadcast_in_dim3A_248 = vector.shape_cast %reduce_max3A_247 : vector<1xf32> to vector<1x1xf32>
    %sub3A_249 = vector.broadcast %broadcast_in_dim3A_248 : vector<1x1xf32> to vector<32x1xf32>
    %sub3A_250 = arith.subf %select_n3A_246, %sub3A_249 : vector<32x1xf32>
    %exp3A = math.exp %sub3A_250 : vector<32x1xf32>
    %reduce_sum3A_251 = arith.constant dense<0.000000e+00> : vector<1xf32>
    %reduce_sum3A_252 = vector.multi_reduction <add>, %exp3A, %reduce_sum3A_251 [0] : vector<32x1xf32> to vector<1xf32>
    %broadcast_in_dim3A_253 = vector.shape_cast %reduce_sum3A_252 : vector<1xf32> to vector<1x1xf32>
    %log3A = math.log %broadcast_in_dim3A_253 : vector<1x1xf32>
    %add3A_254 = arith.addf %log3A, %broadcast_in_dim3A_248 : vector<1x1xf32>
    %add3A_255 = arith.constant 9.99999971E-10 : f32
    %add3A_256 = arith.addf %reduce_sum3A_220, %add3A_255 : f32
    %log3A_257 = math.log %add3A_256 : f32
    %add3A_258 = arith.constant 9.99999971E-10 : f32
    %add3A_259 = arith.addf %reduce_sum3A_226, %add3A_258 : f32
    %log3A_260 = math.log %add3A_259 : f32
    %sub3A_261 = arith.subf %log3A_257, %log3A_260 : f32
    %squeeze3A = vector.extract %add3A_254[0, 0] : f32 from vector<1x1xf32>
    %add3A_262 = arith.addf %sub3A_261, %squeeze3A : f32
    %eq3A_263 = arith.constant 0 : i32
    %eq3A_264 = vector.broadcast %eq3A_263 : i32 to vector<32x1xi32>
    %eq3A_265 = arith.cmpi eq, %iota3A_241, %eq3A_264 : vector<32x1xi32>
    %broadcast_in_dim3A_266 = vector.broadcast %add3A_262 : f32 to vector<32x1xf32>
    %select_n3A_267 = arith.select %eq3A_265, %broadcast_in_dim3A_266, %select_n3A_246 : vector<32x1xi1>, vector<32x1xf32>
    %swap3A = arith.constant 0 : index
    %swap3A_268 = arith.constant 0 : index
    %swap3A_269 = arith.constant 0 : index
    %swap3A_270 = vector.load %arg13[%swap3A, %swap3A_268, %swap3A_269] : memref<2x32x1xf32, #tpu.memory_space<vmem>>, vector<1x32x1xf32>
    %swap3A_271 = vector.shape_cast %swap3A_270 : vector<1x32x1xf32> to vector<32x1xf32>
    %swap3A_272 = vector.shape_cast %select_n3A_267 : vector<32x1xf32> to vector<1x32x1xf32>
    tpu.vector_store %arg13[%swap3A, %swap3A_268, %swap3A_269], %swap3A_272 {strides = array<i32>} : memref<2x32x1xf32, #tpu.memory_space<vmem>>, vector<1x32x1xf32>,
    %slice3A_273 = vector.extract_strided_slice %while3A_194#0 {offsets = [0, 512], sizes = [64, 512], strides = [1, 1]} : vector<65x1024xf32> to vector<64x512xf32>
    %slice3A_274 = vector.extract_strided_slice %while3A_194#1 {offsets = [0, 512], sizes = [1, 512], strides = [1, 1]} : vector<1x1024xf32> to vector<1x512xf32>
    %mul3A_275 = arith.constant 2 : i32
    %mul3A_276 = arith.muli %mul3A_275, %arg0 : i32
    %add3A_277 = arith.constant 1 : i32
    %add3A_278 = arith.addi %mul3A_276, %add3A_277 : i32
    %get3A_279 = arith.index_cast %add3A_278 : i32 to index
    %get3A_280 = arith.constant 0 : index
    %get3A_281 = memref.load %arg5[%get3A_279, %get3A_280] : memref<16x1xi32, #tpu.memory_space<smem>>
    %add3A_282 = arith.constant 1 : i32
    %add3A_283 = arith.addi %get3A_281, %add3A_282 : i32
    %min3A_284 = arith.constant 511 : i32
    %min3A_285 = arith.minsi %add3A_283, %min3A_284 : i32
    %eq3A_286 = vector.broadcast %get3A_281 : i32 to vector<1x512xi32>
    %eq3A_287 = arith.cmpi eq, %iota3A, %eq3A_286 : vector<1x512xi32>
    %convert_element_type3A_288 = arith.extui %eq3A_287 : vector<1x512xi1> to vector<1x512xi32>
    %convert_element_type3A_289 = arith.sitofp %convert_element_type3A_288 : vector<1x512xi32> to vector<1x512xf32>
    %eq3A_290 = vector.broadcast %min3A_285 : i32 to vector<1x512xi32>
    %eq3A_291 = arith.cmpi eq, %iota3A, %eq3A_290 : vector<1x512xi32>
    %convert_element_type3A_292 = arith.extui %eq3A_291 : vector<1x512xi1> to vector<1x512xi32>
    %convert_element_type3A_293 = arith.sitofp %convert_element_type3A_292 : vector<1x512xi32> to vector<1x512xf32>
    %mul3A_294 = arith.mulf %slice3A_274, %convert_element_type3A_289 : vector<1x512xf32>
    %reduce_sum3A_295 = vector.shape_cast %mul3A_294 : vector<1x512xf32> to vector<1x1x512xf32>
    %reduce_sum3A_296 = arith.constant dense<0.000000e+00> : vector<1xf32>
    %reduce_sum3A_297 = vector.multi_reduction <add>, %reduce_sum3A_295, %reduce_sum3A_296 [1, 2] : vector<1x1x512xf32> to vector<1xf32>
    %reduce_sum3A_298 = vector.shape_cast %reduce_sum3A_297 : vector<1xf32> to vector<1x1x1xf32>
    %reduce_sum3A_299 = vector.extract %reduce_sum3A_298[0, 0, 0] : f32 from vector<1x1x1xf32>
    %mul3A_300 = arith.mulf %slice3A_274, %convert_element_type3A_293 : vector<1x512xf32>
    %reduce_sum3A_301 = vector.shape_cast %mul3A_300 : vector<1x512xf32> to vector<1x1x512xf32>
    %reduce_sum3A_302 = arith.constant dense<0.000000e+00> : vector<1xf32>
    %reduce_sum3A_303 = vector.multi_reduction <add>, %reduce_sum3A_301, %reduce_sum3A_302 [1, 2] : vector<1x1x512xf32> to vector<1xf32>
    %reduce_sum3A_304 = vector.shape_cast %reduce_sum3A_303 : vector<1xf32> to vector<1x1x1xf32>
    %reduce_sum3A_305 = vector.extract %reduce_sum3A_304[0, 0, 0] : f32 from vector<1x1x1xf32>
    %mul3A_306 = vector.broadcast %convert_element_type3A_293 : vector<1x512xf32> to vector<64x512xf32>
    %mul3A_307 = arith.mulf %slice3A_273, %mul3A_306 : vector<64x512xf32>
    %reduce_sum3A_308 = arith.constant dense<0.000000e+00> : vector<64xf32>
    %reduce_sum3A_309 = vector.multi_reduction <add>, %mul3A_307, %reduce_sum3A_308 [1] : vector<64x512xf32> to vector<64xf32>
    %broadcast_in_dim3A_310 = vector.shape_cast %reduce_sum3A_309 : vector<64xf32> to vector<64x1xf32>
    %get3A_311 = arith.constant 0 : index
    %get3A_312 = arith.constant 0 : index
    %get3A_313 = vector.load %arg11[%get3A_311, %get3A_312] : memref<32x64xf32, #tpu.memory_space<vmem>>, vector<32x64xf32>
    %dot_general3A_314 = arith.constant dense<0.000000e+00> : vector<32x1xf32>
    %dot_general3A_315 = tpu.matmul %get3A_313, %broadcast_in_dim3A_310, %dot_general3A_314 {dimension_numbers = #tpu.dot_dimension_numbers<[1], [0], [0], [1], [0, 0, 1, 1], [], []>, transpose_lhs_hint = false} : vector<32x64xf32>, vector<64x1xf32>, vector<32x1xf32> -> vector<32x1xf32>
    %get3A_316 = arith.constant 0 : index
    %get3A_317 = arith.constant 0 : index
    %get3A_318 = vector.load %arg12[%get3A_316, %get3A_317] : memref<32x1xf32, #tpu.memory_space<vmem>>, vector<32x1xf32>
    %add3A_319 = arith.addf %dot_general3A_315, %get3A_318 : vector<32x1xf32>
    %iota3A_320 = tpu.iota {dimensions = array<i32: 0>} : vector<32x1xi32>
    %eq3A_321 = arith.constant 0 : i32
    %eq3A_322 = vector.broadcast %eq3A_321 : i32 to vector<32x1xi32>
    %eq3A_323 = arith.cmpi eq, %iota3A_320, %eq3A_322 : vector<32x1xi32>
    %jit3A_324 = arith.constant 0xFF800000 : f32
    %broadcast_in_dim3A_325 = vector.broadcast %jit3A_324 : f32 to vector<32x1xf32>
    %select_n3A_326 = arith.select %eq3A_323, %broadcast_in_dim3A_325, %add3A_319 : vector<32x1xi1>, vector<32x1xf32>
    %reduce_max3A_327 = arith.constant dense<0xFF800000> : vector<1xf32>
    %reduce_max3A_328 = vector.multi_reduction <maximumf>, %select_n3A_326, %reduce_max3A_327 [0] : vector<32x1xf32> to vector<1xf32>
    %broadcast_in_dim3A_329 = vector.shape_cast %reduce_max3A_328 : vector<1xf32> to vector<1x1xf32>
    %sub3A_330 = vector.broadcast %broadcast_in_dim3A_329 : vector<1x1xf32> to vector<32x1xf32>
    %sub3A_331 = arith.subf %select_n3A_326, %sub3A_330 : vector<32x1xf32>
    %exp3A_332 = math.exp %sub3A_331 : vector<32x1xf32>
    %reduce_sum3A_333 = arith.constant dense<0.000000e+00> : vector<1xf32>
    %reduce_sum3A_334 = vector.multi_reduction <add>, %exp3A_332, %reduce_sum3A_333 [0] : vector<32x1xf32> to vector<1xf32>
    %broadcast_in_dim3A_335 = vector.shape_cast %reduce_sum3A_334 : vector<1xf32> to vector<1x1xf32>
    %log3A_336 = math.log %broadcast_in_dim3A_335 : vector<1x1xf32>
    %add3A_337 = arith.addf %log3A_336, %broadcast_in_dim3A_329 : vector<1x1xf32>
    %add3A_338 = arith.constant 9.99999971E-10 : f32
    %add3A_339 = arith.addf %reduce_sum3A_299, %add3A_338 : f32
    %log3A_340 = math.log %add3A_339 : f32
    %add3A_341 = arith.constant 9.99999971E-10 : f32
    %add3A_342 = arith.addf %reduce_sum3A_305, %add3A_341 : f32
    %log3A_343 = math.log %add3A_342 : f32
    %sub3A_344 = arith.subf %log3A_340, %log3A_343 : f32
    %squeeze3A_345 = vector.extract %add3A_337[0, 0] : f32 from vector<1x1xf32>
    %add3A_346 = arith.addf %sub3A_344, %squeeze3A_345 : f32
    %eq3A_347 = arith.constant 0 : i32
    %eq3A_348 = vector.broadcast %eq3A_347 : i32 to vector<32x1xi32>
    %eq3A_349 = arith.cmpi eq, %iota3A_320, %eq3A_348 : vector<32x1xi32>
    %broadcast_in_dim3A_350 = vector.broadcast %add3A_346 : f32 to vector<32x1xf32>
    %select_n3A_351 = arith.select %eq3A_349, %broadcast_in_dim3A_350, %select_n3A_326 : vector<32x1xi1>, vector<32x1xf32>
    %swap3A_352 = arith.constant 1 : index
    %swap3A_353 = arith.constant 0 : index
    %swap3A_354 = arith.constant 0 : index
    %swap3A_355 = vector.load %arg13[%swap3A_352, %swap3A_353, %swap3A_354] : memref<2x32x1xf32, #tpu.memory_space<vmem>>, vector<1x32x1xf32>
    %swap3A_356 = vector.shape_cast %swap3A_355 : vector<1x32x1xf32> to vector<32x1xf32>
    %swap3A_357 = vector.shape_cast %select_n3A_351 : vector<32x1xf32> to vector<1x32x1xf32>
    tpu.vector_store %arg13[%swap3A_352, %swap3A_353, %swap3A_354], %swap3A_357 {strides = array<i32>} : memref<2x32x1xf32, #tpu.memory_space<vmem>>, vector<1x32x1xf32>,
    return
  }
  func.func @transform_0(%arg0: i32) -> (i32, i32, i32) {
    %c0_i32 = arith.constant 0 : i32
    %c0_i32_0 = arith.constant 0 : i32
    %c0_i32_1 = arith.constant 0 : i32
    return %arg0, %c0_i32, %c0_i32_0 : i32, i32, i32
  }
  func.func @transform_1(%arg0: i32) -> (i32, i32, i32) {
    %c0_i32 = arith.constant 0 : i32
    %c0_i32_0 = arith.constant 0 : i32
    %c0_i32_1 = arith.constant 0 : i32
    return %arg0, %c0_i32, %c0_i32_0 : i32, i32, i32
  }
  func.func @transform_2(%arg0: i32) -> (i32, i32) {
    %c0_i32 = arith.constant 0 : i32
    %c0_i32_0 = arith.constant 0 : i32
    %c0_i32_1 = arith.constant 0 : i32
    return %c0_i32, %c0_i32_0 : i32, i32
  }
  func.func @transform_3(%arg0: i32) -> (i32, i32) {
    %c0_i32 = arith.constant 0 : i32
    %c0_i32_0 = arith.constant 0 : i32
    %c0_i32_1 = arith.constant 0 : i32
    return %c0_i32, %c0_i32_0 : i32, i32
  }
  func.func @transform_4(%arg0: i32) -> (i32, i32) {
    %c0_i32 = arith.constant 0 : i32
    %c0_i32_0 = arith.constant 0 : i32
    %c0_i32_1 = arith.constant 0 : i32
    return %c0_i32, %c0_i32_0 : i32, i32
  }
  func.func @transform_5(%arg0: i32) -> (i32, i32) {
    %c0_i32 = arith.constant 0 : i32
    %c0_i32_0 = arith.constant 0 : i32
    %c0_i32_1 = arith.constant 0 : i32
    return %c0_i32, %c0_i32_0 : i32, i32
  }
  func.func @transform_6(%arg0: i32) -> (i32, i32) {
    %c0_i32 = arith.constant 0 : i32
    %c0_i32_0 = arith.constant 0 : i32
    %c0_i32_1 = arith.constant 0 : i32
    return %c0_i32, %c0_i32_0 : i32, i32
  }
  func.func @transform_7(%arg0: i32) -> (i32, i32) {
    %c0_i32 = arith.constant 0 : i32
    %c0_i32_0 = arith.constant 0 : i32
    %c0_i32_1 = arith.constant 0 : i32
    return %c0_i32, %c0_i32_0 : i32, i32
  }
  func.func @transform_8(%arg0: i32) -> (i32, i32) {
    %c0_i32 = arith.constant 0 : i32
    %c0_i32_0 = arith.constant 0 : i32
    %c0_i32_1 = arith.constant 0 : i32
    return %c0_i32, %c0_i32_0 : i32, i32
  }
  func.func @transform_9(%arg0: i32) -> (i32, i32) {
    %c0_i32 = arith.constant 0 : i32
    %c0_i32_0 = arith.constant 0 : i32
    %c0_i32_1 = arith.constant 0 : i32
    return %c0_i32, %c0_i32_0 : i32, i32
  }
  func.func @transform_10(%arg0: i32) -> (i32, i32) {
    %c0_i32 = arith.constant 0 : i32
    %c0_i32_0 = arith.constant 0 : i32
    %c0_i32_1 = arith.constant 0 : i32
    return %c0_i32, %c0_i32_0 : i32, i32
  }
  func.func @transform_11(%arg0: i32) -> (i32, i32) {
    %c0_i32 = arith.constant 0 : i32
    %c0_i32_0 = arith.constant 0 : i32
    %c0_i32_1 = arith.constant 0 : i32
    return %c0_i32, %c0_i32_0 : i32, i32
  }
  func.func @transform_12(%arg0: i32) -> (i32, i32, i32) {
    %c0_i32 = arith.constant 0 : i32
    %c0_i32_0 = arith.constant 0 : i32
    %c0_i32_1 = arith.constant 0 : i32
    return %arg0, %c0_i32, %c0_i32_0 : i32, i32, i32
  }
}

</mosaic_0001>

<sc_bundles>
// kernel: kernel.4.cloned.1.call-start
scs
__scs_entry_jumppad:
0x0: {  	(pc) =	sbr.rel $0x88, $3  }
0x1: {  	(tag) =	ssettag $0x0;
	lr =	simm.s32 $0x1  }
0x2: {  	[smem:$0x3F8F] =	sst lr;
	_ =	strace $0xD0000000  }
0x3: {  	_ = 	snop  }
0x4: {  	_ = 	snop  }
0x5: {  	_ = 	snop  }
0x6: {  	_ = 	snop  }
0x7: {  	_ = 	snop  }
__scs_overlays_trampoline_lowered:
0x8: {  	[smem:$0x3F9E] =	sst s0  }
0x9: {  	[smem:$0x3F9F] =	sst s1  }
0xa: {  	[smem:$0x3FA0] =	sst s2  }
0xb: {  	[smem:$0x3FA1] =	sst s3  }
0xc: {  	[smem:$0x3FA2] =	sst s4  }
0xd: {  	[smem:$0x3FA3] =	sst s5  }
0xe: {  	[smem:$0x3FA4] =	sst s6  }
0xf: {  	[smem:$0x3FA5] =	sst s7  }
0x10: {  	[smem:$0x3FA6] =	sst s8  }
0x11: {  	[smem:$0x3FA7] =	sst s9;
	s0 =	simm.s32 @!p0 $0x0  }
0x12: {  	s1 =	sld [smem:$0x3F8D];
	s0 =	simm.s32 @p0 $0x1  }
0x13: {  	[smem:$0x3FA8] =	sst s0;
	s0 =	simm.s32 @!p1 $0x0  }
0x14: {  	s2 =	sld [smem:$0x3F8C];
	s0 =	simm.s32 @p1 $0x1  }
0x15: {  	[smem:$0x3FA9] =	sst s0;
	s0 =	simm.s32 @!p2 $0x0  }
0x16: {  	s3 =	sld [smem:$0x3FDB];
	s0 =	simm.s32 @p2 $0x1  }
0x17: {  	s4 =	simm.s32 $0x1BF5;
	[smem:$0x3FAB] =	sst s0  }
0x18: {  	s0 =	sld [smem:$0x3F8E];
	_ =	swait.ge [sflag:s4], $0x0  }
0x19: {  	s7 =	sld [smem:$0x3F8F]  }
0x1a: {  	s8 =	sadd.s32 $0xFFFFE003, lr  }
0x1b: {  	s9 =	sadd.s32 $0xFFFFFEF7, lr;
	s5 =	simm.s32 $0xFFFFFFFF;
	p2 =	slt.u32 s8, $0xFFFFF086  }
0x1c: {  	p1 =	slt.u32 s9, $0xF7A;
	s5 =	simm.s32 @!p2 $0x0  }
0x1d: {  	s5 =	simm.s32 @p1 $0x1;
	p0 =	seq.s32 s7, s2  }
0x1e: {  	s7 =	smul.u32 @!p0 $0xF7A, s2;
	p2 =	seq.s32 @!p0 s5, $0x0  }
0x1f: {  	s9 =	smul.u32 $0xF7A, s1;
	s8 =	simm.s32 @!p0 $0x1BF5;
	p2 =	por !p2, p0  }
0x20: {  	[sflag:s8] =	ssyncset.s32 @!p0 $0xFFFFF086;
	s6 =	sadd.s32 @!p0 s3, s7;
	s7 =	simm.s32 @!p0 $0x108  }
0x21: {  	s3 =	sadd.s32 s3, s9;
	s6 =	sadd.s32 @!p0 $0x88, s6;
	s7 =	simm.s32 @p2 $0x1082  }
0x22: {  	[simem:s7], [sflag:s8] =	dma.local @!p0 [hbm:s6], $0xF7A  }
0x23: {  	s9 =	sor.u32 $0xD0000000, s2;
	s6 =	simm.s32 $0x108;
	_ =	swait.ge @!p0 [sflag:s8], $0x0  }
0x24: {  	s3 =	sadd.s32 $0x88, s3;
	s6 =	simm.s32 @!p1 $0x1082;
	[sflag:s4] =	ssyncset.s32 $0xFFFFF086  }
0x25: {  	[simem:s6], [sflag:s4] =	dma.local [hbm:s3], $0xF7A  }
0x26: {  	[smem:$0x3F8F] =	sst s1;
	(tag) =	ssettag s2;
	_ =	strace s9  }
0x27: {  	s1 =	sld [smem:$0x3F9F]  }
0x28: {  	s2 =	sld [smem:$0x3FA0]  }
0x29: {  	s4 =	sld [smem:$0x3FA2]  }
0x2a: {  	p0 =	seq.s32 s5, $0x0;
	s5 =	sld [smem:$0x3FA3]  }
0x2b: {  	s6 =	sld [smem:$0x3FA4]  }
0x2c: {  	s7 =	sld [smem:$0x3FA5]  }
0x2d: {  	s3 =	simm.s32 $0x108;
	s8 =	sld [smem:$0x3FA6]  }
0x2e: {  	s3 =	simm.s32 @!p0 $0x1082;
	s9 =	sld [smem:$0x3FA7]  }
0x2f: {  	lr =	sadd.s32 s0, s3;
	s0 =	sld [smem:$0x3F9E]  }
0x30: {  	s3 =	sld [smem:$0x3FA1]  }
0x31: {  	[smem:$0x3FAA] =	sst s10  }
0x32: {  	s10 =	sld [smem:$0x3FA8];
	_ =	sdelay $0x3  }
0x33: {  	p0 =	seq.s32 s10, $0x1;
	s10 =	sld [smem:$0x3FAA];
	_ =	sdelay $0x3  }
0x34: {  	[smem:$0x3FAA] =	sst s10  }
0x35: {  	s10 =	sld [smem:$0x3FA9];
	_ =	sdelay $0x3  }
0x36: {  	p1 =	seq.s32 s10, $0x1;
	s10 =	sld [smem:$0x3FAA];
	_ =	sdelay $0x3  }
0x37: {  	[smem:$0x3FAA] =	sst s10  }
0x38: {  	s10 =	sld [smem:$0x3FAB]  }
0x39: {  	_ = 	snop;
	(pc) =	sbr.ind lr, $3  }
0x3a: {  	_ = 	snop  }
0x3b: {  	_ = 	snop  }
0x3c: {  	p2 =	seq.s32 s10, $0x1;
	s10 =	sld [smem:$0x3FAA]  }
0x3d: {  	_ =	shalt  }
0x3e: {  	_ =	shalt  }
0x3f: {  	_ =	shalt  }
0x40: {  	_ =	shalt  }
0x41: {  	_ =	shalt  }
0x42: {  	_ =	shalt  }
0x43: {  	_ =	shalt  }
0x44: {  	_ =	shalt  }
0x45: {  	_ =	shalt  }
0x46: {  	_ =	shalt  }
0x47: {  	_ =	shalt  }
0x48: {  	_ =	shalt  }
0x49: {  	_ =	shalt  }
0x4a: {  	_ =	shalt  }
0x4b: {  	_ =	shalt  }
0x4c: {  	_ =	shalt  }
0x4d: {  	_ =	shalt  }
0x4e: {  	_ =	shalt  }
0x4f: {  	_ =	shalt  }
0x50: {  	_ =	shalt  }
0x51: {  	_ =	shalt  }
0x52: {  	_ =	shalt  }
0x53: {  	_ =	shalt  }
0x54: {  	_ =	shalt  }
0x55: {  	_ =	shalt  }
0x56: {  	_ =	shalt  }
0x57: {  	_ =	shalt  }
0x58: {  	_ =	shalt  }
0x59: {  	_ =	shalt  }
0x5a: {  	_ =	shalt  }
0x5b: {  	_ =	shalt  }
0x5c: {  	_ =	shalt  }
0x5d: {  	_ =	shalt  }
0x5e: {  	_ =	shalt  }
0x5f: {  	_ =	shalt  }
0x60: {  	_ =	shalt  }
0x61: {  	_ =	shalt  }
0x62: {  	_ =	shalt  }
0x63: {  	_ =	shalt  }
0x64: {  	_ =	shalt  }
0x65: {  	_ =	shalt  }
0x66: {  	_ =	shalt  }
0x67: {  	_ =	shalt  }
0x68: {  	_ =	shalt  }
0x69: {  	_ =	shalt  }
0x6a: {  	_ =	shalt  }
0x6b: {  	_ =	shalt  }
0x6c: {  	_ =	shalt  }
0x6d: {  	_ =	shalt  }
0x6e: {  	_ =	shalt  }
0x6f: {  	_ =	shalt  }
0x70: {  	_ =	shalt  }
0x71: {  	_ =	shalt  }
0x72: {  	_ =	shalt  }
0x73: {  	_ =	shalt  }
0x74: {  	_ =	shalt  }
0x75: {  	_ =	shalt  }
0x76: {  	_ =	shalt  }
0x77: {  	_ =	shalt  }
0x78: {  	_ =	shalt  }
0x79: {  	_ =	shalt  }
0x7a: {  	_ =	shalt  }
0x7b: {  	_ =	shalt  }
0x7c: {  	_ =	shalt  }
0x7d: {  	_ =	shalt  }
0x7e: {  	_ =	shalt  }
0x7f: {  	_ =	shalt  }
0x80: {  	_ =	shalt  }
0x81: {  	_ =	shalt  }
0x82: {  	_ =	shalt  }
0x83: {  	_ =	shalt  }
0x84: {  	_ =	shalt  }
0x85: {  	_ =	shalt  }
0x86: {  	_ =	shalt  }
0x87: {  	_ =	shalt  }
.Lfunc_end0:
.L_simem_size_0:
called_computation_lowered:
.L_overlay_start_0:
0x88: {  	s2 =	sld [smem:$0x3FD9]  }
0x89: {  	s3 =	sld [smem:$0x3FFE];
	_ =	sdelay $0x1  }
0x8a: {  	s1 =	srdreg.scid  }
0x8b: {  	s0 =	sand.u32 $0x1, s1  }
0x8c: {  	s16 =	sshll.u32 s0, $0xA;
	s2 =	sadd.s32 s3, s2  }
0x8d: {  	s2 =	sadd.s32 s2, s16  }
0x8e: {  	[smem:$0x3FB6] =	sst s2  }
0x8f: {  	_ = 	snop  }
0x90: {  	(tm) =	ssettm $0x1  }
0x91: {  	s17 =	sld [smem:$0x3FFB];
	_ =	sdelay $0x3  }
0x92: {  	_ =	strace s17  }
0x93: {  	s2 =	sld [smem:$0x3FFC];
	_ =	sdelay $0x3  }
0x94: {  	_ =	strace s2  }
0x95: {  	s2 =	sld [smem:$0x3FFD];
	_ =	sdelay $0x3  }
0x96: {  	_ =	strace s2  }
0x97: {  	_ =	strace $0x8FFFFFFF  }
0x98: {  	s18 =	sld [smem:$0x3FDB];
	_ =	sdelay $0x1  }
0x99: {  	s19 =	simm.s32 $_scs_section_size  }
0x9a: {  	s4 =	simm.s32 $_size__tile_overlayer_lowered;
	s5 =	simm.s32 $_tile_overlayer_lowered  }
0x9b: {  	s22 =	simm.s32 $0x1BFF;
	s21 =	sshll.u32 s5, $0x1;
	s2 =	sadd.s32 s19, s18  }
0x9c: {  	s6 =	simm.s32 $0x0;
	s20 =	sshll.u32 s4, $0x1;
	s4 =	sadd.s32 s21, s2  }
0x9d: {  	[timem:s6], [sflag:s22] =	dma.local [hbm:s4], s20  }
0x9e: {  	_ =	swait.ge [sflag:s22], s20  }
0x9f: {  	s3 =	ssub.s32 $0x0, s20;
	[sflag:s22] =	ssyncset.done $0x0  }
0xa0: {  	[sflag:s22] =	ssyncadd.s32 s3;
	_ =	sdelay $0x1  }
0xa1: {  	s23 =	simm.s32 $0x1B8B  }
0xa2: {  	_ =	swait.ge [sflag:s23], $0x1  }
0xa3: {  	[sflag:s23] =	ssyncset.done $0x0  }
0xa4: {  	s25 =	simm.s32 $0x1B8E;
	s24 =	sld [smem:$0x3FFE];
	[sflag:s23] =	ssyncadd.s32 $0xFFFFFFFF  }
0xa5: {  	s26 =	simm.s32 $execute0_lowered;
	[smem:$0x3FD2] =	sst s25  }
0xa6: {  	s4 =	sshll.u32 s26, $0x1;
	_ =	strace $0x80000046;
	[dreg:$0x1] =	wrdreg $0xFFFFFFFF  }
0xa7: {  	s28 =	simm.s32 $_size_execute0_lowered;
	s2 =	sadd.s32 s2, s4;
	[dreg:$0x0] =	wrdreg $0x0  }
0xa8: {  	s4 =	sshll.u32 s28, $0x1;
	[dreg:$0x2] =	wrdreg s2  }
0xa9: {  	[dreg:$0x3] =	wrdreg s4  }
0xaa: {  	[dreg:$0x4] =	wrdreg $0xC0  }
0xab: {  	_ =	task [dreg:s6], $0x5FFFF  }
0xac: {  	[dreg:$0x1] =	wrdreg $0xFFFFFFFF  }
0xad: {  	[dreg:$0x0] =	wrdreg $0x60  }
0xae: {  	[dreg:$0x2] =	wrdreg s24  }
0xaf: {  	[dreg:$0x3] =	wrdreg $0x9  }
0xb0: {  	_ =	task.clear_ibuf [dreg:s6], $0x4FFFF;
	_ =	strace $0x90000046  }
0xb1: {  	s29 =	simm.s32 $0x9;
	_ =	strace $0x80000048  }
0xb2: {  	_ =	swait.ge [sflag:s29], $0x1  }
0xb3: {  	[sflag:s29] =	ssyncadd.s32 $0xFFFFFFFF  }
0xb4: {  	_ =	strace $0x90000048  }
0xb5: {  	_ =	sfence  }
0xb6: {  	s30 =	sld [smem:$0x0];
	_ =	sdelay $0x2  }
0xb7: {  	s31 =	sshll.u32 s1, $0xD;
	s1 =	sshrl.u32 s1, $0x2  }
0xb8: {  	s3 =	sand.u32 $0x4000, s31;
	s1 =	sadd.s32 s1, s30  }
0xb9: {  	s0 =	sor.u32 s3, s0;
	s1 =	sshll.u32 s1, $0x11  }
0xba: {  	s0 =	sor.u32 s1, s0  }
0xbb: {  	s0 =	sadd.s32 $0x8F2B, s0  }
0xbc: {  	[sflag:s0] =	ssyncadd.remote.s32 $0x1  }
0xbd: {  	_ =	sfence.sel $0xFFFF  }
0xbe: {  	[dreg:$0x0] =	wrdreg $0xFFFFFFFF;
	(pc) =	sbr.abs _section_cstart, $3  }
0xbf: {  	[dreg:$0x1] =	wrdreg $0xFFFFFFFF  }
0xc0: {  	_ =	task.clear_ibuf [dreg:s6], $0x2FFFF;
	_ =	strace $0x9FFFFFFF  }
0xc1: {  	(tm) =	ssettm $0x7FFFFFFF  }
tec
execute0_lowered:
.L_overlay_start_1:
0x0: {  	(tag) =	ssettag $0x1  }
0x1: {  	s0 =	srdreg.scid  }
0x2: {  	s14 =	rddreg [dreg:$0x0];
	s15 =	sand.u32 $0x1, s0  }
0x3: {  	s1 =	stileid.u32;
	s2 =	simm.s32 $0x0;
	s3 =	sshll.u32 s15, $0x6  }
0x4: {  	s0 =	rddreg [dreg:$0x1];
	s4 =	sshll.u32 s1, $0x7;
	s3 =	sadd.s32 s3, s14  }
0x5: {  	[smem:$0x7FF] =	sst s2;
	s3 =	sadd.s32 s4, s3  }
0x6: {  	_ =	strace $0x80000047;
	s4 =	sadd.s32 $0x2400, s3;
	s3 =	simm.s32 $0x2  }
0x7: {  	[tilespmem:s2], [sflag:$0x2] =	stream.linear.gather [hbm4b:s4+s2], $0x200, $0x38;
	[tilespmem:$0x10200] =	vst v63  }
0x8: {  	_ =	swait.ge [sflag:s3], $0x200  }
0x9: {  	s6 =	simm.s32 $0x80;
	[sflag:s3] =	ssyncset.done $0x0  }
0xa: {  	s7 =	simm.s32 $0x200;
	s5 =	sadd.s32 $0x2C00, s14;
	[sflag:s3] =	ssyncadd.s32 $0xFFFFFE00  }
0xb: {  	[tilespmem:s7], [sflag:$0x1] =	stream.indirect.gather [hbm4b:s5+s6], $0x80, s2, s6, $0xb8;
	[tilespmem:$0x10200] =	vst v63  }
0xc: {  	s8 =	simm.s32 $0x4200  }
0xd: {  	[tilespmem:s8], [sflag:$0x1] =	stream.indirect.gather [hbm4b:s5+s6], $0x80, s6, s6, $0xb8;
	[tilespmem:$0x10200] =	vst v63  }
0xe: {  	s9 =	simm.s32 $0x100;
	s10 =	simm.s32 $0x8200  }
0xf: {  	[tilespmem:s10], [sflag:$0x1] =	stream.indirect.gather [hbm4b:s5+s6], $0x80, s9, s6, $0xb8;
	[tilespmem:$0x10200] =	vst v63  }
0x10: {  	s11 =	simm.s32 $0x180;
	s12 =	simm.s32 $0xC200;
	s13 =	simm.s32 $0x1  }
0x11: {  	[tilespmem:s12], [sflag:$0x1] =	stream.indirect.gather [hbm4b:s5+s6], $0x80, s11, s6, $0xb8;
	[tilespmem:$0x10200] =	vst v63  }
0x12: {  	_ =	swait.ge [sflag:s13], $0x4000  }
0x13: {  	[sflag:s13] =	ssyncset.done $0x0  }
0x14: {  	[sflag:s13] =	ssyncadd.s32 $0xFFFFC000  }
0x15: {  	_ =	swait.ge [sflag:s13], $0x4000  }
0x16: {  	[sflag:s13] =	ssyncset.done $0x0  }
0x17: {  	s16 =	sshll.u32 s15, $0xD;
	s15 =	ssub.s32 $0x2, s15;
	[sflag:s13] =	ssyncadd.s32 $0xFFFFC000  }
0x18: {  	s31 =	sshrl.u32 s15, $0x1;
	_ =	swait.ge [sflag:s13], $0x4000  }
0x19: {  	s15 =	ssub.s32 s15, s31;
	[sflag:s13] =	ssyncset.done $0x0  }
0x1a: {  	s17 =	sshll.u32 s1, $0xE;
	s15 =	smax.u32 s15, $0x1;
	[sflag:s13] =	ssyncadd.s32 $0xFFFFC000  }
0x1b: {  	s14 =	sadd.s32 s16, s14;
	p0 =	sne.s32 s15, $0x1;
	_ =	swait.ge [sflag:s13], $0x4000  }
.Ltmp0:
0x1c: {  	s14 =	sadd.s32 s17, s14;
	[sflag:s13] =	ssyncset.done $0x0;
	(pc) =	sbr.rel @!p0 .LBB2_2-.Ltmp0, $4  }
0x1d: {  	s14 =	sadd.s32 $0x78000, s14;
	[sflag:s13] =	ssyncadd.s32 $0xFFFFC000  }
0x1e: {  	[hbm4b:s14+s2] =	stream.linear.scatter [tilespmem:s7], [sflag:$0x2], $0x10000, $0x38;
	[tilespmem:$0x10200] =	vst v63  }
0x1f: {  	_ =	swait.ge [sflag:s3], $0x10000  }
0x20: {  	s15 =	sadd.s32 $0xFFFFFFFF, s15;
	[sflag:s3] =	ssyncset.done $0x0  }
.LBB2_1:
0x21: {  	p0 =	sne.s32 s15, $0x1;
	s15 =	sadd.s32 $0xFFFFFFFF, s15;
	[sflag:s3] =	ssyncadd.s32 $0xFFFF0000  }
0x22: {  	[tilespmem:s2], [sflag:$0x2] =	stream.linear.gather [hbm4b:s4+s2], $0x200, $0x38;
	[tilespmem:$0x10200] =	vst v63  }
0x23: {  	_ =	swait.ge [sflag:s3], $0x200  }
0x24: {  	[sflag:s3] =	ssyncset.done $0x0  }
0x25: {  	[sflag:s3] =	ssyncadd.s32 $0xFFFFFE00  }
0x26: {  	[tilespmem:s7], [sflag:$0x1] =	stream.indirect.gather [hbm4b:s5+s6], $0x80, s2, s6, $0xb8;
	[tilespmem:$0x10200] =	vst v63  }
0x27: {  	_ = 	snop  }
0x28: {  	[tilespmem:s8], [sflag:$0x1] =	stream.indirect.gather [hbm4b:s5+s6], $0x80, s6, s6, $0xb8;
	[tilespmem:$0x10200] =	vst v63  }
0x29: {  	_ = 	snop  }
0x2a: {  	[tilespmem:s10], [sflag:$0x1] =	stream.indirect.gather [hbm4b:s5+s6], $0x80, s9, s6, $0xb8;
	[tilespmem:$0x10200] =	vst v63  }
0x2b: {  	_ = 	snop  }
0x2c: {  	[tilespmem:s12], [sflag:$0x1] =	stream.indirect.gather [hbm4b:s5+s6], $0x80, s11, s6, $0xb8;
	[tilespmem:$0x10200] =	vst v63  }
0x2d: {  	_ =	swait.ge [sflag:s13], $0x4000  }
0x2e: {  	[sflag:s13] =	ssyncset.done $0x0  }
0x2f: {  	[sflag:s13] =	ssyncadd.s32 $0xFFFFC000  }
0x30: {  	_ =	swait.ge [sflag:s13], $0x4000  }
0x31: {  	[sflag:s13] =	ssyncset.done $0x0  }
0x32: {  	[sflag:s13] =	ssyncadd.s32 $0xFFFFC000  }
0x33: {  	_ =	swait.ge [sflag:s13], $0x4000  }
0x34: {  	[sflag:s13] =	ssyncset.done $0x0  }
0x35: {  	[sflag:s13] =	ssyncadd.s32 $0xFFFFC000  }
0x36: {  	_ =	swait.ge [sflag:s13], $0x4000  }
.Ltmp1:
0x37: {  	[sflag:s13] =	ssyncset.done $0x0;
	(pc) =	sbr.rel @p0 .LBB2_1-.Ltmp1, $4  }
0x38: {  	[sflag:s13] =	ssyncadd.s32 $0xFFFFC000  }
0x39: {  	[hbm4b:s14+s2] =	stream.linear.scatter [tilespmem:s7], [sflag:$0x2], $0x10000, $0x38;
	[tilespmem:$0x10200] =	vst v63  }
0x3a: {  	_ =	swait.ge [sflag:s3], $0x10000  }
0x3b: {  	[sflag:s3] =	ssyncset.done $0x0  }
.LBB2_2:
0x3c: {  	[sflag:s3] =	ssyncadd.s32 $0xFFFF0000  }
0x3d: {  	_ =	sfence.sel $0x180000  }
0x3e: {  	[bflag:$0x0] =	sbarrier.arrive $0xFFFF  }
0x3f: {  	p0 =	sne.s32 s1, $0x0;
	_ =	strace $0x90000047  }
0x40: {  	s0 =	sadd.s32 @!p0 $0x100000, s0;
	[bflag:$0x2] =	sbarrier.arrive $0xFFFF  }
0x41: {  	[sflag:s0] =	ssyncadd.tile.s32 @!p0 $0x1;
	_ =	shalt  }
.Lfunc_end2:
_tile_overlayer_lowered:
.L_overlay_start_2:
0x42: {  	(tag) =	ssettag $0x2  }
0x43: {  	s0 =	rddreg [dreg:$0x0];
	s2 =	stileid.u32  }
0x44: {  	s1 =	rddreg [dreg:$0x1];
	p0 =	sne.s32 s2, $0x0  }
0x45: {  	s3 =	rddreg [dreg:$0x2];
	[bflag:$0x3] =	sbarrier.arrive $0xFFFF;
	s2 =	simm.s32 @!p0 $0x1C02  }
0x46: {  	[timem:s3], [sflag:s2] =	dma.local @!p0 [hbm:s0], s1  }
0x47: {  	s0 =	simm.s32 @!p0 $0x2  }
0x48: {  	_ =	swait.ge @!p0 [sflag:s0], s1  }
0x49: {  	s1 =	ssub.s32 @!p0 $0x0, s1;
	[sflag:s0] =	ssyncset.done @!p0 $0x0  }
0x4a: {  	[sflag:s0] =	ssyncadd.s32 @!p0 s1  }
0x4b: {  	[bflag:$0x3] =	sbarrier.arrive $0xFFFF  }
0x4c: {  	_ =	shalt  }

</sc_bundles>
